<compile_context>
chip_gen: v7x
topology: tpu7x:2x2x1
jax: 0.10.2.dev20260603
libtpu: 0.0.44.dev20260713+nightly
codegen_flags: <defaults>
</compile_context>

<pallas_src>
import functools

import jax
import jax.numpy as jnp
from jax import lax
from jax.experimental import pallas as pl
from jax.experimental.pallas import tpu as pltpu
from jax.experimental.pallas import tpu_sc as plsc

_N = 8 * 96 * 224 * 224
_NW = 32
_CH = 8192
_NV = _CH // 16
_NCH = _N // (_NW * _CH)
_PER_W = _NCH * _CH



def _sc_body(rec_hbm, tgt_hbm, out_hbm, bufr, buft, outbuf, sem0, sem1):
    wid = lax.axis_index("s") * 2 + lax.axis_index("c")
    base = wid * _PER_W

    def start(k, slot_r, slot_t, sem):
        pltpu.async_copy(rec_hbm.at[pl.ds(base + k * _CH, _CH)], slot_r, sem)
        pltpu.async_copy(tgt_hbm.at[pl.ds(base + k * _CH, _CH)], slot_t, sem)

    def drain(slot_r, slot_t, sem):
        pltpu.make_async_copy(rec_hbm.at[pl.ds(base, _CH)], slot_r, sem).wait()
        pltpu.make_async_copy(tgt_hbm.at[pl.ds(base, _CH)], slot_t, sem).wait()

    def lane_acc(a, r, t):
        s_all, s_z, s_fn, c_z, c_rz, c_rt, c_tn = a
        d = r - t
        sq = d * d
        zm = t == 0.0
        rz = r == 0.0
        rt = r == t
        tn = zm & rz
        fn = tn != rz
        zf = jnp.zeros((16,), jnp.float32)
        zi = jnp.zeros((16,), jnp.int32)
        oi = jnp.ones((16,), jnp.int32)
        return (s_all + sq,
                s_z + jnp.where(zm, sq, zf),
                s_fn + jnp.where(fn, sq, zf),
                c_z + jnp.where(zm, oi, zi),
                c_rz + jnp.where(rz, oi, zi),
                c_rt + jnp.where(rt, oi, zi),
                c_tn + jnp.where(tn, oi, zi))

    def chunk_acc(slot_r, slot_t, acc):
        def step(i, ab):
            a, b = ab
            a = lane_acc(a, slot_r[pl.ds(i * 32, 16)],
                         slot_t[pl.ds(i * 32, 16)])
            b = lane_acc(b, slot_r[pl.ds(i * 32 + 16, 16)],
                         slot_t[pl.ds(i * 32 + 16, 16)])
            return (a, b)
        return lax.fori_loop(0, _NV // 2, step, acc)

    def zacc():
        return (tuple(jnp.zeros((16,), jnp.float32) for _ in range(3))
                + tuple(jnp.zeros((16,), jnp.int32) for _ in range(4)))

    acc0 = (zacc(), zacc())

    start(0, bufr.at[0], buft.at[0], sem0)

    def outer(i, acc):
        k = i * 2
        start(k + 1, bufr.at[1], buft.at[1], sem1)
        drain(bufr.at[0], buft.at[0], sem0)
        acc = chunk_acc(bufr.at[0], buft.at[0], acc)
        start(k + 2, bufr.at[0], buft.at[0], sem0)
        drain(bufr.at[1], buft.at[1], sem1)
        return chunk_acc(bufr.at[1], buft.at[1], acc)

    acc = lax.fori_loop(0, (_NCH - 1) // 2, outer, acc0)
    drain(bufr.at[0], buft.at[0], sem0)
    acc = chunk_acc(bufr.at[0], buft.at[0], acc)
    a, b = acc

    for i in range(3):
        outbuf[i, :] = a[i] + b[i]
    for i in range(3, 7):
        outbuf[i, :] = (a[i] + b[i]).astype(jnp.float32)
    pltpu.sync_copy(outbuf, out_hbm.at[wid])


_sc_call_cache = []


def _sc_call(rec_flat, tgt_flat):
    if not _sc_call_cache:
        _sc_call_cache.append(functools.partial(
            pl.kernel,
            out_type=jax.ShapeDtypeStruct((_NW, 7, 16), jnp.float32),
            mesh=plsc.VectorSubcoreMesh(core_axis_name="c",
                                        subcore_axis_name="s"),
            scratch_types=[
                pltpu.VMEM((2, _CH), jnp.float32),
                pltpu.VMEM((2, _CH), jnp.float32),
                pltpu.VMEM((7, 16), jnp.float32),
                pltpu.SemaphoreType.DMA,
                pltpu.SemaphoreType.DMA,
            ],
        )(_sc_body))
    return _sc_call_cache[0](rec_flat, tgt_flat)



def _combine_body(parts_ref, out_ref):
    p = parts_ref[...]
    s_all = jnp.sum(p[:, 0, :])
    s_z = jnp.sum(p[:, 1, :])
    s_fn = jnp.sum(p[:, 2, :])
    c_z = jnp.sum(p[:, 3, :].astype(jnp.int32))
    c_rz = jnp.sum(p[:, 4, :].astype(jnp.int32))
    c_rt = jnp.sum(p[:, 5, :].astype(jnp.int32))
    c_tn = jnp.sum(p[:, 6, :].astype(jnp.int32))
    c_fn = c_rz - c_tn
    c_tm = c_rt - c_tn

    n_f = jnp.float32(_N)
    c_nz = _N - c_z
    s_nz = s_all - s_z
    c_tp = c_nz - c_fn
    s_tp = s_nz - s_fn
    c_fp = c_z - c_tn

    def mse(s, c, repl):
        m = s / jnp.maximum(c, 1).astype(jnp.float32)
        return jnp.where(c == 0, jnp.float32(repl), m)

    ff_loss = s_all / n_f
    zero_loss = mse(s_z, c_z, 0.0)
    nonzero_loss = mse(s_nz, c_nz, 0.0)
    time_match = jnp.where(c_tm == 0, jnp.float32(10.0), jnp.float32(0.0))
    fnl = mse(s_fn, c_fn, 0.0)
    fpl = mse(s_tp, c_tp, 0.0)
    tnl = jnp.where(c_tn == 0, jnp.float32(10.0), jnp.float32(0.0))
    tpl = mse(s_z, c_fp, 10.0)
    out_ref[0, 0] = (tpl + fnl + fpl + tnl + time_match
                     + ff_loss + zero_loss + nonzero_loss)


def _combine(parts, interpret=False):
    return pl.pallas_call(
        _combine_body,
        out_specs=pl.BlockSpec(memory_space=pltpu.SMEM),
        out_shape=jax.ShapeDtypeStruct((1, 1), jnp.float32),
        interpret=interpret,
    )(parts)


def kernel(reconstructed_image, target_image):
    rec_flat = reconstructed_image.reshape(_N)
    tgt_flat = target_image.reshape(_N)
    parts = _sc_call(rec_flat, tgt_flat)
    return _combine(parts)[0, 0]

# --- scband reference (transcript-rebuilt; emitter-appended) ---
"""Pipeline reference for scband-layered-loss-37864431681549 (READ-ONLY COPY).

The authoritative reference and input builder live on the scoring server;
editing this copy changes nothing except your own understanding.
"""

import jax, jax.numpy as jnp
import numpy as np


def _masked_mse(pred, tgt, mask, nan_replacement):
    # Equivalent to torch MSELoss(reduction='mean') over boolean-masked subsets.
    # torch yields NaN when the subset is empty; the original forward replaces
    # that NaN with a constant, which is equivalent to branching on count == 0.
    cnt = jnp.sum(mask)
    se = jnp.sum(jnp.where(mask, (pred - tgt) ** 2, 0.0))
    mse = se / jnp.maximum(cnt, 1).astype(pred.dtype)
    return jnp.where(cnt == 0, jnp.asarray(nan_replacement, dtype=pred.dtype), mse)


def setup_inputs(seed: int = 0) -> dict:
    key = jax.random.key(seed)
    k1, k2 = jax.random.split(key)
    reconstructed_image = jax.random.normal(k1, (8, 96, 224, 224), dtype=jnp.float32)
    # fill=randint, fill_max=4, cast to float32: sparse-ish target with ~25% exact zeros
    target_image = jax.random.randint(k2, (8, 96, 224, 224), 0, 4).astype(jnp.float32)
    return {"reconstructed_image": reconstructed_image, "target_image": target_image}


def reference(reconstructed_image, target_image):
    zero_weighting = 1.0
    nonzero_weighting = 1.0
    ff_weighting = 1.0
    TPW = 1.0
    FPW = 1.0
    FNW = 1.0
    TNW = 1.0
    time_weight = 1.0

    ff_loss = jnp.mean((reconstructed_image - target_image) ** 2)

    zero_mask = target_image == 0
    nonzero_mask = ~zero_mask

    zero_loss = _masked_mse(reconstructed_image, target_image, zero_mask, 0.0)
    nonzero_loss = _masked_mse(reconstructed_image, target_image, nonzero_mask, 0.0)

    # MSE over nonzero-target pixels where reconstruction matches target exactly
    time_match_mask = nonzero_mask & (reconstructed_image == target_image)
    Time_Match = _masked_mse(reconstructed_image, target_image, time_match_mask, 10.0)

    # within nonzero-target pixels: reconstructed == 0 -> false negatives
    false_negative_mask = nonzero_mask & (reconstructed_image == 0)
    true_positive_mask = nonzero_mask & (reconstructed_image != 0)
    FNL = _masked_mse(reconstructed_image, target_image, false_negative_mask, 0.0)
    FPL = _masked_mse(reconstructed_image, target_image, true_positive_mask, 0.0)

    # within zero-target pixels: reconstructed == 0 -> true negatives
    true_negative_mask = zero_mask & (reconstructed_image == 0)
    false_positive_mask = zero_mask & (reconstructed_image != 0)
    TNL = _masked_mse(reconstructed_image, target_image, true_negative_mask, 10.0)
    TPL = _masked_mse(reconstructed_image, target_image, false_positive_mask, 10.0)

    weighted_loss = (TPW * TPL + FNW * FNL + FPW * FPL + TNW * TNL
                     + time_weight * Time_Match + ff_weighting * ff_loss
                     + zero_weighting * zero_loss + nonzero_weighting * nonzero_loss)
    return weighted_loss

if __name__ == "__main__":
    import jax
    _d = setup_inputs()
    print(jax.jit(kernel)(*tuple(_d.values())))

</pallas_src>

<mosaic_0001>
#map = affine_map<(d0, d1) -> (0)>
#map1 = affine_map<(d0, d1) -> (0, 0, 0)>
module attributes {stable_mosaic.version = 14 : i64} {
  func.func @_sc_body(%arg0: i32, %arg1: i32, %arg2: memref<38535168xf32, #tpu.memory_space<hbm>>, %arg3: memref<38535168xf32, #tpu.memory_space<hbm>>, %arg4: memref<32x7x16xf32, #tpu.memory_space<hbm>>, %arg5: memref<2x8192xf32, #tpu.memory_space<vmem>>, %arg6: memref<2x8192xf32, #tpu.memory_space<vmem>>, %arg7: memref<7x16xf32, #tpu.memory_space<vmem>>, %arg8: memref<!tpu.dma_semaphore, #tpu.memory_space<semaphore_mem>>, %arg9: memref<!tpu.dma_semaphore, #tpu.memory_space<semaphore_mem>>) attributes {dimension_semantics = [#tpu.dimension_semantics<core_parallel>, #tpu.dimension_semantics<subcore_parallel>], iteration_bounds = array<i64: 2, 16>, scalar_prefetch = 0 : i64, scratch_operands = 5 : i64, tpu.core_type = #tpu.core_type<sc_vector_subcore>, window_params = [{transform_indices = #map}, {transform_indices = #map}, {transform_indices = #map1}]} {
    %mul3A = arith.constant 2 : i32
    %mul3A_0 = arith.muli %arg1, %mul3A : i32
    %add3A = arith.addi %mul3A_0, %arg0 : i32
    %mul3A_1 = arith.constant 1204224 : i32
    %mul3A_2 = arith.muli %add3A, %mul3A_1 : i32
    %broadcast_in_dim3A = arith.constant 0.000000e+00 : f32
    %broadcast_in_dim3A_3 = vector.broadcast %broadcast_in_dim3A : f32 to vector<16xf32>
    %broadcast_in_dim3A_4 = arith.constant 0.000000e+00 : f32
    %broadcast_in_dim3A_5 = vector.broadcast %broadcast_in_dim3A_4 : f32 to vector<16xf32>
    %broadcast_in_dim3A_6 = arith.constant 0.000000e+00 : f32
    %broadcast_in_dim3A_7 = vector.broadcast %broadcast_in_dim3A_6 : f32 to vector<16xf32>
    %broadcast_in_dim3A_8 = arith.constant 0 : i32
    %broadcast_in_dim3A_9 = vector.broadcast %broadcast_in_dim3A_8 : i32 to vector<16xi32>
    %broadcast_in_dim3A_10 = arith.constant 0 : i32
    %broadcast_in_dim3A_11 = vector.broadcast %broadcast_in_dim3A_10 : i32 to vector<16xi32>
    %broadcast_in_dim3A_12 = arith.constant 0 : i32
    %broadcast_in_dim3A_13 = vector.broadcast %broadcast_in_dim3A_12 : i32 to vector<16xi32>
    %broadcast_in_dim3A_14 = arith.constant 0 : i32
    %broadcast_in_dim3A_15 = vector.broadcast %broadcast_in_dim3A_14 : i32 to vector<16xi32>
    %broadcast_in_dim3A_16 = arith.constant 0.000000e+00 : f32
    %broadcast_in_dim3A_17 = vector.broadcast %broadcast_in_dim3A_16 : f32 to vector<16xf32>
    %broadcast_in_dim3A_18 = arith.constant 0.000000e+00 : f32
    %broadcast_in_dim3A_19 = vector.broadcast %broadcast_in_dim3A_18 : f32 to vector<16xf32>
    %broadcast_in_dim3A_20 = arith.constant 0.000000e+00 : f32
    %broadcast_in_dim3A_21 = vector.broadcast %broadcast_in_dim3A_20 : f32 to vector<16xf32>
    %broadcast_in_dim3A_22 = arith.constant 0 : i32
    %broadcast_in_dim3A_23 = vector.broadcast %broadcast_in_dim3A_22 : i32 to vector<16xi32>
    %broadcast_in_dim3A_24 = arith.constant 0 : i32
    %broadcast_in_dim3A_25 = vector.broadcast %broadcast_in_dim3A_24 : i32 to vector<16xi32>
    %broadcast_in_dim3A_26 = arith.constant 0 : i32
    %broadcast_in_dim3A_27 = vector.broadcast %broadcast_in_dim3A_26 : i32 to vector<16xi32>
    %broadcast_in_dim3A_28 = arith.constant 0 : i32
    %broadcast_in_dim3A_29 = vector.broadcast %broadcast_in_dim3A_28 : i32 to vector<16xi32>
    %add3A_30 = arith.constant 0 : i32
    %add3A_31 = arith.addi %mul3A_2, %add3A_30 : i32
    %dma_start3A = arith.constant 0 : i32
    %dma_start3A_32 = arith.constant 0 : i32
    %dma_start3A_33 = tpu.memref_slice %arg5[%dma_start3A, %dma_start3A_32] : memref<2x8192xf32, #tpu.memory_space<vmem>> -> memref<1x8192xf32, #tpu.memory_space<vmem>>
    %dma_start3A_34 = tpu.memref_squeeze %dma_start3A_33 : memref<1x8192xf32, #tpu.memory_space<vmem>> -> memref<8192xf32, #tpu.memory_space<vmem>>
    %dma_start3A_35 = tpu.memref_slice %arg2[%add3A_31] : memref<38535168xf32, #tpu.memory_space<hbm>> -> memref<8192xf32, #tpu.memory_space<hbm>>
    %dma_start3A_36 = arith.constant 0 : i32
    %dma_start3A_37 = tpu.memref_slice %arg5[%dma_start3A, %dma_start3A_36] : memref<2x8192xf32, #tpu.memory_space<vmem>> -> memref<1x8192xf32, #tpu.memory_space<vmem>>
    %dma_start3A_38 = tpu.memref_squeeze %dma_start3A_37 : memref<1x8192xf32, #tpu.memory_space<vmem>> -> memref<8192xf32, #tpu.memory_space<vmem>>
    %dma_start3A_39 = tpu.memref_slice %arg2[%add3A_31] : memref<38535168xf32, #tpu.memory_space<hbm>> -> memref<8192xf32, #tpu.memory_space<hbm>>
    tpu.enqueue_dma source(%dma_start3A_39 : memref<8192xf32, #tpu.memory_space<hbm>>) target(%dma_start3A_38 : memref<8192xf32, #tpu.memory_space<vmem>>) target_semaphore(%arg8 : memref<!tpu.dma_semaphore, #tpu.memory_space<semaphore_mem>>)
    %add3A_40 = arith.constant 0 : i32
    %add3A_41 = arith.addi %mul3A_2, %add3A_40 : i32
    %dma_start3A_42 = arith.constant 0 : i32
    %dma_start3A_43 = arith.constant 0 : i32
    %dma_start3A_44 = tpu.memref_slice %arg6[%dma_start3A_42, %dma_start3A_43] : memref<2x8192xf32, #tpu.memory_space<vmem>> -> memref<1x8192xf32, #tpu.memory_space<vmem>>
    %dma_start3A_45 = tpu.memref_squeeze %dma_start3A_44 : memref<1x8192xf32, #tpu.memory_space<vmem>> -> memref<8192xf32, #tpu.memory_space<vmem>>
    %dma_start3A_46 = tpu.memref_slice %arg3[%add3A_41] : memref<38535168xf32, #tpu.memory_space<hbm>> -> memref<8192xf32, #tpu.memory_space<hbm>>
    %dma_start3A_47 = arith.constant 0 : i32
    %dma_start3A_48 = tpu.memref_slice %arg6[%dma_start3A_42, %dma_start3A_47] : memref<2x8192xf32, #tpu.memory_space<vmem>> -> memref<1x8192xf32, #tpu.memory_space<vmem>>
    %dma_start3A_49 = tpu.memref_squeeze %dma_start3A_48 : memref<1x8192xf32, #tpu.memory_space<vmem>> -> memref<8192xf32, #tpu.memory_space<vmem>>
    %dma_start3A_50 = tpu.memref_slice %arg3[%add3A_41] : memref<38535168xf32, #tpu.memory_space<hbm>> -> memref<8192xf32, #tpu.memory_space<hbm>>
    tpu.enqueue_dma source(%dma_start3A_50 : memref<8192xf32, #tpu.memory_space<hbm>>) target(%dma_start3A_49 : memref<8192xf32, #tpu.memory_space<vmem>>) target_semaphore(%arg8 : memref<!tpu.dma_semaphore, #tpu.memory_space<semaphore_mem>>)
    %scan3A = arith.constant 0 : i32
    %scan3A_51 = arith.constant 73 : i32
    %scan3A_52 = arith.addi %scan3A, %scan3A_51 : i32
    %scan3A_53 = arith.constant 1 : i32
    %scan3A_54:14 = scf.for %scan3A_132 = %scan3A to %scan3A_52 step %scan3A_53 iter_args(%scan3A_133 = %broadcast_in_dim3A_3, %scan3A_134 = %broadcast_in_dim3A_5, %scan3A_135 = %broadcast_in_dim3A_7, %scan3A_136 = %broadcast_in_dim3A_9, %scan3A_137 = %broadcast_in_dim3A_11, %scan3A_138 = %broadcast_in_dim3A_13, %scan3A_139 = %broadcast_in_dim3A_15, %scan3A_140 = %broadcast_in_dim3A_17, %scan3A_141 = %broadcast_in_dim3A_19, %scan3A_142 = %broadcast_in_dim3A_21, %scan3A_143 = %broadcast_in_dim3A_23, %scan3A_144 = %broadcast_in_dim3A_25, %scan3A_145 = %broadcast_in_dim3A_27, %scan3A_146 = %broadcast_in_dim3A_29) -> (vector<16xf32>, vector<16xf32>, vector<16xf32>, vector<16xi32>, vector<16xi32>, vector<16xi32>, vector<16xi32>, vector<16xf32>, vector<16xf32>, vector<16xf32>, vector<16xi32>, vector<16xi32>, vector<16xi32>, vector<16xi32>)  : i32 {
      %mul3A_147 = arith.constant 2 : i32
      %mul3A_148 = arith.muli %scan3A_132, %mul3A_147 : i32
      %add3A_149 = arith.constant 1 : i32
      %add3A_150 = arith.addi %mul3A_148, %add3A_149 : i32
      %mul3A_151 = arith.constant 8192 : i32
      %mul3A_152 = arith.muli %add3A_150, %mul3A_151 : i32
      %add3A_153 = arith.addi %mul3A_2, %mul3A_152 : i32
      %dma_start3A_154 = arith.constant 1 : i32
      %dma_start3A_155 = arith.constant 0 : i32
      %dma_start3A_156 = tpu.memref_slice %arg5[%dma_start3A_154, %dma_start3A_155] : memref<2x8192xf32, #tpu.memory_space<vmem>> -> memref<1x8192xf32, #tpu.memory_space<vmem>>
      %dma_start3A_157 = tpu.memref_squeeze %dma_start3A_156 : memref<1x8192xf32, #tpu.memory_space<vmem>> -> memref<8192xf32, #tpu.memory_space<vmem>>
      %dma_start3A_158 = tpu.memref_slice %arg2[%add3A_153] : memref<38535168xf32, #tpu.memory_space<hbm>> -> memref<8192xf32, #tpu.memory_space<hbm>>
      %dma_start3A_159 = arith.constant 0 : i32
      %dma_start3A_160 = tpu.memref_slice %arg5[%dma_start3A_154, %dma_start3A_159] : memref<2x8192xf32, #tpu.memory_space<vmem>> -> memref<1x8192xf32, #tpu.memory_space<vmem>>
      %dma_start3A_161 = tpu.memref_squeeze %dma_start3A_160 : memref<1x8192xf32, #tpu.memory_space<vmem>> -> memref<8192xf32, #tpu.memory_space<vmem>>
      %dma_start3A_162 = tpu.memref_slice %arg2[%add3A_153] : memref<38535168xf32, #tpu.memory_space<hbm>> -> memref<8192xf32, #tpu.memory_space<hbm>>
      tpu.enqueue_dma source(%dma_start3A_162 : memref<8192xf32, #tpu.memory_space<hbm>>) target(%dma_start3A_161 : memref<8192xf32, #tpu.memory_space<vmem>>) target_semaphore(%arg9 : memref<!tpu.dma_semaphore, #tpu.memory_space<semaphore_mem>>)
      %mul3A_163 = arith.constant 8192 : i32
      %mul3A_164 = arith.muli %add3A_150, %mul3A_163 : i32
      %add3A_165 = arith.addi %mul3A_2, %mul3A_164 : i32
      %dma_start3A_166 = arith.constant 1 : i32
      %dma_start3A_167 = arith.constant 0 : i32
      %dma_start3A_168 = tpu.memref_slice %arg6[%dma_start3A_166, %dma_start3A_167] : memref<2x8192xf32, #tpu.memory_space<vmem>> -> memref<1x8192xf32, #tpu.memory_space<vmem>>
      %dma_start3A_169 = tpu.memref_squeeze %dma_start3A_168 : memref<1x8192xf32, #tpu.memory_space<vmem>> -> memref<8192xf32, #tpu.memory_space<vmem>>
      %dma_start3A_170 = tpu.memref_slice %arg3[%add3A_165] : memref<38535168xf32, #tpu.memory_space<hbm>> -> memref<8192xf32, #tpu.memory_space<hbm>>
      %dma_start3A_171 = arith.constant 0 : i32
      %dma_start3A_172 = tpu.memref_slice %arg6[%dma_start3A_166, %dma_start3A_171] : memref<2x8192xf32, #tpu.memory_space<vmem>> -> memref<1x8192xf32, #tpu.memory_space<vmem>>
      %dma_start3A_173 = tpu.memref_squeeze %dma_start3A_172 : memref<1x8192xf32, #tpu.memory_space<vmem>> -> memref<8192xf32, #tpu.memory_space<vmem>>
      %dma_start3A_174 = tpu.memref_slice %arg3[%add3A_165] : memref<38535168xf32, #tpu.memory_space<hbm>> -> memref<8192xf32, #tpu.memory_space<hbm>>
      tpu.enqueue_dma source(%dma_start3A_174 : memref<8192xf32, #tpu.memory_space<hbm>>) target(%dma_start3A_173 : memref<8192xf32, #tpu.memory_space<vmem>>) target_semaphore(%arg9 : memref<!tpu.dma_semaphore, #tpu.memory_space<semaphore_mem>>)
      %dma_wait3A_175 = arith.constant 0 : i32
      %dma_wait3A_176 = arith.constant 0 : i32
      %dma_wait3A_177 = tpu.memref_slice %arg5[%dma_wait3A_175, %dma_wait3A_176] : memref<2x8192xf32, #tpu.memory_space<vmem>> -> memref<1x8192xf32, #tpu.memory_space<vmem>>
      %dma_wait3A_178 = tpu.memref_squeeze %dma_wait3A_177 : memref<1x8192xf32, #tpu.memory_space<vmem>> -> memref<8192xf32, #tpu.memory_space<vmem>>
      %dma_wait3A_179 = tpu.memref_slice %arg2[%mul3A_2] : memref<38535168xf32, #tpu.memory_space<hbm>> -> memref<8192xf32, #tpu.memory_space<hbm>>
      %dma_wait3A_180 = arith.constant 0 : i32
      %dma_wait3A_181 = tpu.memref_slice %arg5[%dma_wait3A_175, %dma_wait3A_180] : memref<2x8192xf32, #tpu.memory_space<vmem>> -> memref<1x8192xf32, #tpu.memory_space<vmem>>
      %dma_wait3A_182 = tpu.memref_squeeze %dma_wait3A_181 : memref<1x8192xf32, #tpu.memory_space<vmem>> -> memref<8192xf32, #tpu.memory_space<vmem>>
      %dma_wait3A_183 = tpu.memref_slice %arg2[%mul3A_2] : memref<38535168xf32, #tpu.memory_space<hbm>> -> memref<8192xf32, #tpu.memory_space<hbm>>
      tpu.wait_dma2 semaphore(%arg8 : memref<!tpu.dma_semaphore, #tpu.memory_space<semaphore_mem>>) src(%dma_wait3A_183 : memref<8192xf32, #tpu.memory_space<hbm>>) dst(%dma_wait3A_182 : memref<8192xf32, #tpu.memory_space<vmem>>)
      %dma_wait3A_184 = arith.constant 0 : i32
      %dma_wait3A_185 = arith.constant 0 : i32
      %dma_wait3A_186 = tpu.memref_slice %arg6[%dma_wait3A_184, %dma_wait3A_185] : memref<2x8192xf32, #tpu.memory_space<vmem>> -> memref<1x8192xf32, #tpu.memory_space<vmem>>
      %dma_wait3A_187 = tpu.memref_squeeze %dma_wait3A_186 : memref<1x8192xf32, #tpu.memory_space<vmem>> -> memref<8192xf32, #tpu.memory_space<vmem>>
      %dma_wait3A_188 = tpu.memref_slice %arg3[%mul3A_2] : memref<38535168xf32, #tpu.memory_space<hbm>> -> memref<8192xf32, #tpu.memory_space<hbm>>
      %dma_wait3A_189 = arith.constant 0 : i32
      %dma_wait3A_190 = tpu.memref_slice %arg6[%dma_wait3A_184, %dma_wait3A_189] : memref<2x8192xf32, #tpu.memory_space<vmem>> -> memref<1x8192xf32, #tpu.memory_space<vmem>>
      %dma_wait3A_191 = tpu.memref_squeeze %dma_wait3A_190 : memref<1x8192xf32, #tpu.memory_space<vmem>> -> memref<8192xf32, #tpu.memory_space<vmem>>
      %dma_wait3A_192 = tpu.memref_slice %arg3[%mul3A_2] : memref<38535168xf32, #tpu.memory_space<hbm>> -> memref<8192xf32, #tpu.memory_space<hbm>>
      tpu.wait_dma2 semaphore(%arg8 : memref<!tpu.dma_semaphore, #tpu.memory_space<semaphore_mem>>) src(%dma_wait3A_192 : memref<8192xf32, #tpu.memory_space<hbm>>) dst(%dma_wait3A_191 : memref<8192xf32, #tpu.memory_space<vmem>>)
      %scan3A_193 = arith.constant 0 : i32
      %scan3A_194 = arith.constant 0 : i32
      %scan3A_195 = arith.constant 0 : i32
      %scan3A_196 = arith.constant 256 : i32
      %scan3A_197 = arith.addi %scan3A_195, %scan3A_196 : i32
      %scan3A_198 = arith.constant 1 : i32
      %scan3A_199:14 = scf.for %scan3A_253 = %scan3A_195 to %scan3A_197 step %scan3A_198 iter_args(%scan3A_254 = %scan3A_133, %scan3A_255 = %scan3A_134, %scan3A_256 = %scan3A_135, %scan3A_257 = %scan3A_136, %scan3A_258 = %scan3A_137, %scan3A_259 = %scan3A_138, %scan3A_260 = %scan3A_139, %scan3A_261 = %scan3A_140, %scan3A_262 = %scan3A_141, %scan3A_263 = %scan3A_142, %scan3A_264 = %scan3A_143, %scan3A_265 = %scan3A_144, %scan3A_266 = %scan3A_145, %scan3A_267 = %scan3A_146) -> (vector<16xf32>, vector<16xf32>, vector<16xf32>, vector<16xi32>, vector<16xi32>, vector<16xi32>, vector<16xi32>, vector<16xf32>, vector<16xf32>, vector<16xf32>, vector<16xi32>, vector<16xi32>, vector<16xi32>, vector<16xi32>)  : i32 {
        %mul3A_268 = arith.constant 32 : i32
        %mul3A_269 = arith.muli %scan3A_253, %mul3A_268 : i32
        %get3A = arith.constant 0 : i32
        %get3A_270 = tpu.memref_slice %arg5[%scan3A_193, %get3A] : memref<2x8192xf32, #tpu.memory_space<vmem>> -> memref<1x8192xf32, #tpu.memory_space<vmem>>
        %get3A_271 = tpu.memref_squeeze %get3A_270 : memref<1x8192xf32, #tpu.memory_space<vmem>> -> memref<8192xf32, #tpu.memory_space<vmem>>
        %get3A_272 = arith.index_cast %mul3A_269 : i32 to index
        %get3A_273 = tpu.vector_load %get3A_271[%get3A_272] {strides = array<i32>} : memref<8192xf32, #tpu.memory_space<vmem>>, vector<16xf32>,
        %get3A_274 = vector.shape_cast %get3A_273 : vector<16xf32> to vector<16xf32>
        %mul3A_275 = arith.constant 32 : i32
        %mul3A_276 = arith.muli %scan3A_253, %mul3A_275 : i32
        %get3A_277 = arith.constant 0 : i32
        %get3A_278 = tpu.memref_slice %arg6[%scan3A_194, %get3A_277] : memref<2x8192xf32, #tpu.memory_space<vmem>> -> memref<1x8192xf32, #tpu.memory_space<vmem>>
        %get3A_279 = tpu.memref_squeeze %get3A_278 : memref<1x8192xf32, #tpu.memory_space<vmem>> -> memref<8192xf32, #tpu.memory_space<vmem>>
        %get3A_280 = arith.index_cast %mul3A_276 : i32 to index
        %get3A_281 = tpu.vector_load %get3A_279[%get3A_280] {strides = array<i32>} : memref<8192xf32, #tpu.memory_space<vmem>>, vector<16xf32>,
        %get3A_282 = vector.shape_cast %get3A_281 : vector<16xf32> to vector<16xf32>
        %sub3A = arith.subf %get3A_274, %get3A_282 : vector<16xf32>
        %mul3A_283 = arith.mulf %sub3A, %sub3A : vector<16xf32>
        %eq3A = arith.constant 0.000000e+00 : f32
        %eq3A_284 = vector.broadcast %eq3A : f32 to vector<16xf32>
        %eq3A_285 = arith.cmpf oeq, %get3A_282, %eq3A_284 : vector<16xf32>
        %eq3A_286 = arith.constant 0.000000e+00 : f32
        %eq3A_287 = vector.broadcast %eq3A_286 : f32 to vector<16xf32>
        %eq3A_288 = arith.cmpf oeq, %get3A_274, %eq3A_287 : vector<16xf32>
        %eq3A_289 = arith.cmpf oeq, %get3A_274, %get3A_282 : vector<16xf32>
        %and3A = arith.andi %eq3A_285, %eq3A_288 : vector<16xi1>
        %ne3A = arith.xori %and3A, %eq3A_288 : vector<16xi1>
        %broadcast_in_dim3A_290 = arith.constant 0.000000e+00 : f32
        %broadcast_in_dim3A_291 = vector.broadcast %broadcast_in_dim3A_290 : f32 to vector<16xf32>
        %broadcast_in_dim3A_292 = arith.constant 0 : i32
        %broadcast_in_dim3A_293 = vector.broadcast %broadcast_in_dim3A_292 : i32 to vector<16xi32>
        %broadcast_in_dim3A_294 = arith.constant 1 : i32
        %broadcast_in_dim3A_295 = vector.broadcast %broadcast_in_dim3A_294 : i32 to vector<16xi32>
        %add3A_296 = arith.addf %scan3A_254, %mul3A_283 : vector<16xf32>
        %select_n3A = arith.select %eq3A_285, %mul3A_283, %broadcast_in_dim3A_291 : vector<16xi1>, vector<16xf32>
        %add3A_297 = arith.addf %scan3A_255, %select_n3A : vector<16xf32>
        %select_n3A_298 = arith.select %ne3A, %mul3A_283, %broadcast_in_dim3A_291 : vector<16xi1>, vector<16xf32>
        %add3A_299 = arith.addf %scan3A_256, %select_n3A_298 : vector<16xf32>
        %select_n3A_300 = arith.select %eq3A_285, %broadcast_in_dim3A_295, %broadcast_in_dim3A_293 : vector<16xi1>, vector<16xi32>
        %add3A_301 = arith.addi %scan3A_257, %select_n3A_300 : vector<16xi32>
        %select_n3A_302 = arith.select %eq3A_288, %broadcast_in_dim3A_295, %broadcast_in_dim3A_293 : vector<16xi1>, vector<16xi32>
        %add3A_303 = arith.addi %scan3A_258, %select_n3A_302 : vector<16xi32>
        %select_n3A_304 = arith.select %eq3A_289, %broadcast_in_dim3A_295, %broadcast_in_dim3A_293 : vector<16xi1>, vector<16xi32>
        %add3A_305 = arith.addi %scan3A_259, %select_n3A_304 : vector<16xi32>
        %select_n3A_306 = arith.select %and3A, %broadcast_in_dim3A_295, %broadcast_in_dim3A_293 : vector<16xi1>, vector<16xi32>
        %add3A_307 = arith.addi %scan3A_260, %select_n3A_306 : vector<16xi32>
        %mul3A_308 = arith.constant 32 : i32
        %mul3A_309 = arith.muli %scan3A_253, %mul3A_308 : i32
        %add3A_310 = arith.constant 16 : i32
        %add3A_311 = arith.addi %mul3A_309, %add3A_310 : i32
        %get3A_312 = arith.constant 0 : i32
        %get3A_313 = tpu.memref_slice %arg5[%scan3A_193, %get3A_312] : memref<2x8192xf32, #tpu.memory_space<vmem>> -> memref<1x8192xf32, #tpu.memory_space<vmem>>
        %get3A_314 = tpu.memref_squeeze %get3A_313 : memref<1x8192xf32, #tpu.memory_space<vmem>> -> memref<8192xf32, #tpu.memory_space<vmem>>
        %get3A_315 = arith.index_cast %add3A_311 : i32 to index
        %get3A_316 = tpu.vector_load %get3A_314[%get3A_315] {strides = array<i32>} : memref<8192xf32, #tpu.memory_space<vmem>>, vector<16xf32>,
        %get3A_317 = vector.shape_cast %get3A_316 : vector<16xf32> to vector<16xf32>
        %mul3A_318 = arith.constant 32 : i32
        %mul3A_319 = arith.muli %scan3A_253, %mul3A_318 : i32
        %add3A_320 = arith.constant 16 : i32
        %add3A_321 = arith.addi %mul3A_319, %add3A_320 : i32
        %get3A_322 = arith.constant 0 : i32
        %get3A_323 = tpu.memref_slice %arg6[%scan3A_194, %get3A_322] : memref<2x8192xf32, #tpu.memory_space<vmem>> -> memref<1x8192xf32, #tpu.memory_space<vmem>>
        %get3A_324 = tpu.memref_squeeze %get3A_323 : memref<1x8192xf32, #tpu.memory_space<vmem>> -> memref<8192xf32, #tpu.memory_space<vmem>>
        %get3A_325 = arith.index_cast %add3A_321 : i32 to index
        %get3A_326 = tpu.vector_load %get3A_324[%get3A_325] {strides = array<i32>} : memref<8192xf32, #tpu.memory_space<vmem>>, vector<16xf32>,
        %get3A_327 = vector.shape_cast %get3A_326 : vector<16xf32> to vector<16xf32>
        %sub3A_328 = arith.subf %get3A_317, %get3A_327 : vector<16xf32>
        %mul3A_329 = arith.mulf %sub3A_328, %sub3A_328 : vector<16xf32>
        %eq3A_330 = arith.constant 0.000000e+00 : f32
        %eq3A_331 = vector.broadcast %eq3A_330 : f32 to vector<16xf32>
        %eq3A_332 = arith.cmpf oeq, %get3A_327, %eq3A_331 : vector<16xf32>
        %eq3A_333 = arith.constant 0.000000e+00 : f32
        %eq3A_334 = vector.broadcast %eq3A_333 : f32 to vector<16xf32>
        %eq3A_335 = arith.cmpf oeq, %get3A_317, %eq3A_334 : vector<16xf32>
        %eq3A_336 = arith.cmpf oeq, %get3A_317, %get3A_327 : vector<16xf32>
        %and3A_337 = arith.andi %eq3A_332, %eq3A_335 : vector<16xi1>
        %ne3A_338 = arith.xori %and3A_337, %eq3A_335 : vector<16xi1>
        %broadcast_in_dim3A_339 = arith.constant 0.000000e+00 : f32
        %broadcast_in_dim3A_340 = vector.broadcast %broadcast_in_dim3A_339 : f32 to vector<16xf32>
        %broadcast_in_dim3A_341 = arith.constant 0 : i32
        %broadcast_in_dim3A_342 = vector.broadcast %broadcast_in_dim3A_341 : i32 to vector<16xi32>
        %broadcast_in_dim3A_343 = arith.constant 1 : i32
        %broadcast_in_dim3A_344 = vector.broadcast %broadcast_in_dim3A_343 : i32 to vector<16xi32>
        %add3A_345 = arith.addf %scan3A_261, %mul3A_329 : vector<16xf32>
        %select_n3A_346 = arith.select %eq3A_332, %mul3A_329, %broadcast_in_dim3A_340 : vector<16xi1>, vector<16xf32>
        %add3A_347 = arith.addf %scan3A_262, %select_n3A_346 : vector<16xf32>
        %select_n3A_348 = arith.select %ne3A_338, %mul3A_329, %broadcast_in_dim3A_340 : vector<16xi1>, vector<16xf32>
        %add3A_349 = arith.addf %scan3A_263, %select_n3A_348 : vector<16xf32>
        %select_n3A_350 = arith.select %eq3A_332, %broadcast_in_dim3A_344, %broadcast_in_dim3A_342 : vector<16xi1>, vector<16xi32>
        %add3A_351 = arith.addi %scan3A_264, %select_n3A_350 : vector<16xi32>
        %select_n3A_352 = arith.select %eq3A_335, %broadcast_in_dim3A_344, %broadcast_in_dim3A_342 : vector<16xi1>, vector<16xi32>
        %add3A_353 = arith.addi %scan3A_265, %select_n3A_352 : vector<16xi32>
        %select_n3A_354 = arith.select %eq3A_336, %broadcast_in_dim3A_344, %broadcast_in_dim3A_342 : vector<16xi1>, vector<16xi32>
        %add3A_355 = arith.addi %scan3A_266, %select_n3A_354 : vector<16xi32>
        %select_n3A_356 = arith.select %and3A_337, %broadcast_in_dim3A_344, %broadcast_in_dim3A_342 : vector<16xi1>, vector<16xi32>
        %add3A_357 = arith.addi %scan3A_267, %select_n3A_356 : vector<16xi32>
        scf.yield %add3A_296, %add3A_297, %add3A_299, %add3A_301, %add3A_303, %add3A_305, %add3A_307, %add3A_345, %add3A_347, %add3A_349, %add3A_351, %add3A_353, %add3A_355, %add3A_357 : vector<16xf32>, vector<16xf32>, vector<16xf32>, vector<16xi32>, vector<16xi32>, vector<16xi32>, vector<16xi32>, vector<16xf32>, vector<16xf32>, vector<16xf32>, vector<16xi32>, vector<16xi32>, vector<16xi32>, vector<16xi32>
      }
      %scan3A_200 = arith.constant 256 : i32
      %add3A_201 = arith.constant 2 : i32
      %add3A_202 = arith.addi %mul3A_148, %add3A_201 : i32
      %mul3A_203 = arith.constant 8192 : i32
      %mul3A_204 = arith.muli %add3A_202, %mul3A_203 : i32
      %add3A_205 = arith.addi %mul3A_2, %mul3A_204 : i32
      %dma_start3A_206 = arith.constant 0 : i32
      %dma_start3A_207 = arith.constant 0 : i32
      %dma_start3A_208 = tpu.memref_slice %arg5[%dma_start3A_206, %dma_start3A_207] : memref<2x8192xf32, #tpu.memory_space<vmem>> -> memref<1x8192xf32, #tpu.memory_space<vmem>>
      %dma_start3A_209 = tpu.memref_squeeze %dma_start3A_208 : memref<1x8192xf32, #tpu.memory_space<vmem>> -> memref<8192xf32, #tpu.memory_space<vmem>>
      %dma_start3A_210 = tpu.memref_slice %arg2[%add3A_205] : memref<38535168xf32, #tpu.memory_space<hbm>> -> memref<8192xf32, #tpu.memory_space<hbm>>
      %dma_start3A_211 = arith.constant 0 : i32
      %dma_start3A_212 = tpu.memref_slice %arg5[%dma_start3A_206, %dma_start3A_211] : memref<2x8192xf32, #tpu.memory_space<vmem>> -> memref<1x8192xf32, #tpu.memory_space<vmem>>
      %dma_start3A_213 = tpu.memref_squeeze %dma_start3A_212 : memref<1x8192xf32, #tpu.memory_space<vmem>> -> memref<8192xf32, #tpu.memory_space<vmem>>
      %dma_start3A_214 = tpu.memref_slice %arg2[%add3A_205] : memref<38535168xf32, #tpu.memory_space<hbm>> -> memref<8192xf32, #tpu.memory_space<hbm>>
      tpu.enqueue_dma source(%dma_start3A_214 : memref<8192xf32, #tpu.memory_space<hbm>>) target(%dma_start3A_213 : memref<8192xf32, #tpu.memory_space<vmem>>) target_semaphore(%arg8 : memref<!tpu.dma_semaphore, #tpu.memory_space<semaphore_mem>>)
      %mul3A_215 = arith.constant 8192 : i32
      %mul3A_216 = arith.muli %add3A_202, %mul3A_215 : i32
      %add3A_217 = arith.addi %mul3A_2, %mul3A_216 : i32
      %dma_start3A_218 = arith.constant 0 : i32
      %dma_start3A_219 = arith.constant 0 : i32
      %dma_start3A_220 = tpu.memref_slice %arg6[%dma_start3A_218, %dma_start3A_219] : memref<2x8192xf32, #tpu.memory_space<vmem>> -> memref<1x8192xf32, #tpu.memory_space<vmem>>
      %dma_start3A_221 = tpu.memref_squeeze %dma_start3A_220 : memref<1x8192xf32, #tpu.memory_space<vmem>> -> memref<8192xf32, #tpu.memory_space<vmem>>
      %dma_start3A_222 = tpu.memref_slice %arg3[%add3A_217] : memref<38535168xf32, #tpu.memory_space<hbm>> -> memref<8192xf32, #tpu.memory_space<hbm>>
      %dma_start3A_223 = arith.constant 0 : i32
      %dma_start3A_224 = tpu.memref_slice %arg6[%dma_start3A_218, %dma_start3A_223] : memref<2x8192xf32, #tpu.memory_space<vmem>> -> memref<1x8192xf32, #tpu.memory_space<vmem>>
      %dma_start3A_225 = tpu.memref_squeeze %dma_start3A_224 : memref<1x8192xf32, #tpu.memory_space<vmem>> -> memref<8192xf32, #tpu.memory_space<vmem>>
      %dma_start3A_226 = tpu.memref_slice %arg3[%add3A_217] : memref<38535168xf32, #tpu.memory_space<hbm>> -> memref<8192xf32, #tpu.memory_space<hbm>>
      tpu.enqueue_dma source(%dma_start3A_226 : memref<8192xf32, #tpu.memory_space<hbm>>) target(%dma_start3A_225 : memref<8192xf32, #tpu.memory_space<vmem>>) target_semaphore(%arg8 : memref<!tpu.dma_semaphore, #tpu.memory_space<semaphore_mem>>)
      %dma_wait3A_227 = arith.constant 1 : i32
      %dma_wait3A_228 = arith.constant 0 : i32
      %dma_wait3A_229 = tpu.memref_slice %arg5[%dma_wait3A_227, %dma_wait3A_228] : memref<2x8192xf32, #tpu.memory_space<vmem>> -> memref<1x8192xf32, #tpu.memory_space<vmem>>
      %dma_wait3A_230 = tpu.memref_squeeze %dma_wait3A_229 : memref<1x8192xf32, #tpu.memory_space<vmem>> -> memref<8192xf32, #tpu.memory_space<vmem>>
      %dma_wait3A_231 = tpu.memref_slice %arg2[%mul3A_2] : memref<38535168xf32, #tpu.memory_space<hbm>> -> memref<8192xf32, #tpu.memory_space<hbm>>
      %dma_wait3A_232 = arith.constant 0 : i32
      %dma_wait3A_233 = tpu.memref_slice %arg5[%dma_wait3A_227, %dma_wait3A_232] : memref<2x8192xf32, #tpu.memory_space<vmem>> -> memref<1x8192xf32, #tpu.memory_space<vmem>>
      %dma_wait3A_234 = tpu.memref_squeeze %dma_wait3A_233 : memref<1x8192xf32, #tpu.memory_space<vmem>> -> memref<8192xf32, #tpu.memory_space<vmem>>
      %dma_wait3A_235 = tpu.memref_slice %arg2[%mul3A_2] : memref<38535168xf32, #tpu.memory_space<hbm>> -> memref<8192xf32, #tpu.memory_space<hbm>>
      tpu.wait_dma2 semaphore(%arg9 : memref<!tpu.dma_semaphore, #tpu.memory_space<semaphore_mem>>) src(%dma_wait3A_235 : memref<8192xf32, #tpu.memory_space<hbm>>) dst(%dma_wait3A_234 : memref<8192xf32, #tpu.memory_space<vmem>>)
      %dma_wait3A_236 = arith.constant 1 : i32
      %dma_wait3A_237 = arith.constant 0 : i32
      %dma_wait3A_238 = tpu.memref_slice %arg6[%dma_wait3A_236, %dma_wait3A_237] : memref<2x8192xf32, #tpu.memory_space<vmem>> -> memref<1x8192xf32, #tpu.memory_space<vmem>>
      %dma_wait3A_239 = tpu.memref_squeeze %dma_wait3A_238 : memref<1x8192xf32, #tpu.memory_space<vmem>> -> memref<8192xf32, #tpu.memory_space<vmem>>
      %dma_wait3A_240 = tpu.memref_slice %arg3[%mul3A_2] : memref<38535168xf32, #tpu.memory_space<hbm>> -> memref<8192xf32, #tpu.memory_space<hbm>>
      %dma_wait3A_241 = arith.constant 0 : i32
      %dma_wait3A_242 = tpu.memref_slice %arg6[%dma_wait3A_236, %dma_wait3A_241] : memref<2x8192xf32, #tpu.memory_space<vmem>> -> memref<1x8192xf32, #tpu.memory_space<vmem>>
      %dma_wait3A_243 = tpu.memref_squeeze %dma_wait3A_242 : memref<1x8192xf32, #tpu.memory_space<vmem>> -> memref<8192xf32, #tpu.memory_space<vmem>>
      %dma_wait3A_244 = tpu.memref_slice %arg3[%mul3A_2] : memref<38535168xf32, #tpu.memory_space<hbm>> -> memref<8192xf32, #tpu.memory_space<hbm>>
      tpu.wait_dma2 semaphore(%arg9 : memref<!tpu.dma_semaphore, #tpu.memory_space<semaphore_mem>>) src(%dma_wait3A_244 : memref<8192xf32, #tpu.memory_space<hbm>>) dst(%dma_wait3A_243 : memref<8192xf32, #tpu.memory_space<vmem>>)
      %scan3A_245 = arith.constant 1 : i32
      %scan3A_246 = arith.constant 1 : i32
      %scan3A_247 = arith.constant 0 : i32
      %scan3A_248 = arith.constant 256 : i32
      %scan3A_249 = arith.addi %scan3A_247, %scan3A_248 : i32
      %scan3A_250 = arith.constant 1 : i32
      %scan3A_251:14 = scf.for %scan3A_253 = %scan3A_247 to %scan3A_249 step %scan3A_250 iter_args(%scan3A_254 = %scan3A_199#0, %scan3A_255 = %scan3A_199#1, %scan3A_256 = %scan3A_199#2, %scan3A_257 = %scan3A_199#3, %scan3A_258 = %scan3A_199#4, %scan3A_259 = %scan3A_199#5, %scan3A_260 = %scan3A_199#6, %scan3A_261 = %scan3A_199#7, %scan3A_262 = %scan3A_199#8, %scan3A_263 = %scan3A_199#9, %scan3A_264 = %scan3A_199#10, %scan3A_265 = %scan3A_199#11, %scan3A_266 = %scan3A_199#12, %scan3A_267 = %scan3A_199#13) -> (vector<16xf32>, vector<16xf32>, vector<16xf32>, vector<16xi32>, vector<16xi32>, vector<16xi32>, vector<16xi32>, vector<16xf32>, vector<16xf32>, vector<16xf32>, vector<16xi32>, vector<16xi32>, vector<16xi32>, vector<16xi32>)  : i32 {
        %mul3A_268 = arith.constant 32 : i32
        %mul3A_269 = arith.muli %scan3A_253, %mul3A_268 : i32
        %get3A = arith.constant 0 : i32
        %get3A_270 = tpu.memref_slice %arg5[%scan3A_245, %get3A] : memref<2x8192xf32, #tpu.memory_space<vmem>> -> memref<1x8192xf32, #tpu.memory_space<vmem>>
        %get3A_271 = tpu.memref_squeeze %get3A_270 : memref<1x8192xf32, #tpu.memory_space<vmem>> -> memref<8192xf32, #tpu.memory_space<vmem>>
        %get3A_272 = arith.index_cast %mul3A_269 : i32 to index
        %get3A_273 = tpu.vector_load %get3A_271[%get3A_272] {strides = array<i32>} : memref<8192xf32, #tpu.memory_space<vmem>>, vector<16xf32>,
        %get3A_274 = vector.shape_cast %get3A_273 : vector<16xf32> to vector<16xf32>
        %mul3A_275 = arith.constant 32 : i32
        %mul3A_276 = arith.muli %scan3A_253, %mul3A_275 : i32
        %get3A_277 = arith.constant 0 : i32
        %get3A_278 = tpu.memref_slice %arg6[%scan3A_246, %get3A_277] : memref<2x8192xf32, #tpu.memory_space<vmem>> -> memref<1x8192xf32, #tpu.memory_space<vmem>>
        %get3A_279 = tpu.memref_squeeze %get3A_278 : memref<1x8192xf32, #tpu.memory_space<vmem>> -> memref<8192xf32, #tpu.memory_space<vmem>>
        %get3A_280 = arith.index_cast %mul3A_276 : i32 to index
        %get3A_281 = tpu.vector_load %get3A_279[%get3A_280] {strides = array<i32>} : memref<8192xf32, #tpu.memory_space<vmem>>, vector<16xf32>,
        %get3A_282 = vector.shape_cast %get3A_281 : vector<16xf32> to vector<16xf32>
        %sub3A = arith.subf %get3A_274, %get3A_282 : vector<16xf32>
        %mul3A_283 = arith.mulf %sub3A, %sub3A : vector<16xf32>
        %eq3A = arith.constant 0.000000e+00 : f32
        %eq3A_284 = vector.broadcast %eq3A : f32 to vector<16xf32>
        %eq3A_285 = arith.cmpf oeq, %get3A_282, %eq3A_284 : vector<16xf32>
        %eq3A_286 = arith.constant 0.000000e+00 : f32
        %eq3A_287 = vector.broadcast %eq3A_286 : f32 to vector<16xf32>
        %eq3A_288 = arith.cmpf oeq, %get3A_274, %eq3A_287 : vector<16xf32>
        %eq3A_289 = arith.cmpf oeq, %get3A_274, %get3A_282 : vector<16xf32>
        %and3A = arith.andi %eq3A_285, %eq3A_288 : vector<16xi1>
        %ne3A = arith.xori %and3A, %eq3A_288 : vector<16xi1>
        %broadcast_in_dim3A_290 = arith.constant 0.000000e+00 : f32
        %broadcast_in_dim3A_291 = vector.broadcast %broadcast_in_dim3A_290 : f32 to vector<16xf32>
        %broadcast_in_dim3A_292 = arith.constant 0 : i32
        %broadcast_in_dim3A_293 = vector.broadcast %broadcast_in_dim3A_292 : i32 to vector<16xi32>
        %broadcast_in_dim3A_294 = arith.constant 1 : i32
        %broadcast_in_dim3A_295 = vector.broadcast %broadcast_in_dim3A_294 : i32 to vector<16xi32>
        %add3A_296 = arith.addf %scan3A_254, %mul3A_283 : vector<16xf32>
        %select_n3A = arith.select %eq3A_285, %mul3A_283, %broadcast_in_dim3A_291 : vector<16xi1>, vector<16xf32>
        %add3A_297 = arith.addf %scan3A_255, %select_n3A : vector<16xf32>
        %select_n3A_298 = arith.select %ne3A, %mul3A_283, %broadcast_in_dim3A_291 : vector<16xi1>, vector<16xf32>
        %add3A_299 = arith.addf %scan3A_256, %select_n3A_298 : vector<16xf32>
        %select_n3A_300 = arith.select %eq3A_285, %broadcast_in_dim3A_295, %broadcast_in_dim3A_293 : vector<16xi1>, vector<16xi32>
        %add3A_301 = arith.addi %scan3A_257, %select_n3A_300 : vector<16xi32>
        %select_n3A_302 = arith.select %eq3A_288, %broadcast_in_dim3A_295, %broadcast_in_dim3A_293 : vector<16xi1>, vector<16xi32>
        %add3A_303 = arith.addi %scan3A_258, %select_n3A_302 : vector<16xi32>
        %select_n3A_304 = arith.select %eq3A_289, %broadcast_in_dim3A_295, %broadcast_in_dim3A_293 : vector<16xi1>, vector<16xi32>
        %add3A_305 = arith.addi %scan3A_259, %select_n3A_304 : vector<16xi32>
        %select_n3A_306 = arith.select %and3A, %broadcast_in_dim3A_295, %broadcast_in_dim3A_293 : vector<16xi1>, vector<16xi32>
        %add3A_307 = arith.addi %scan3A_260, %select_n3A_306 : vector<16xi32>
        %mul3A_308 = arith.constant 32 : i32
        %mul3A_309 = arith.muli %scan3A_253, %mul3A_308 : i32
        %add3A_310 = arith.constant 16 : i32
        %add3A_311 = arith.addi %mul3A_309, %add3A_310 : i32
        %get3A_312 = arith.constant 0 : i32
        %get3A_313 = tpu.memref_slice %arg5[%scan3A_245, %get3A_312] : memref<2x8192xf32, #tpu.memory_space<vmem>> -> memref<1x8192xf32, #tpu.memory_space<vmem>>
        %get3A_314 = tpu.memref_squeeze %get3A_313 : memref<1x8192xf32, #tpu.memory_space<vmem>> -> memref<8192xf32, #tpu.memory_space<vmem>>
        %get3A_315 = arith.index_cast %add3A_311 : i32 to index
        %get3A_316 = tpu.vector_load %get3A_314[%get3A_315] {strides = array<i32>} : memref<8192xf32, #tpu.memory_space<vmem>>, vector<16xf32>,
        %get3A_317 = vector.shape_cast %get3A_316 : vector<16xf32> to vector<16xf32>
        %mul3A_318 = arith.constant 32 : i32
        %mul3A_319 = arith.muli %scan3A_253, %mul3A_318 : i32
        %add3A_320 = arith.constant 16 : i32
        %add3A_321 = arith.addi %mul3A_319, %add3A_320 : i32
        %get3A_322 = arith.constant 0 : i32
        %get3A_323 = tpu.memref_slice %arg6[%scan3A_246, %get3A_322] : memref<2x8192xf32, #tpu.memory_space<vmem>> -> memref<1x8192xf32, #tpu.memory_space<vmem>>
        %get3A_324 = tpu.memref_squeeze %get3A_323 : memref<1x8192xf32, #tpu.memory_space<vmem>> -> memref<8192xf32, #tpu.memory_space<vmem>>
        %get3A_325 = arith.index_cast %add3A_321 : i32 to index
        %get3A_326 = tpu.vector_load %get3A_324[%get3A_325] {strides = array<i32>} : memref<8192xf32, #tpu.memory_space<vmem>>, vector<16xf32>,
        %get3A_327 = vector.shape_cast %get3A_326 : vector<16xf32> to vector<16xf32>
        %sub3A_328 = arith.subf %get3A_317, %get3A_327 : vector<16xf32>
        %mul3A_329 = arith.mulf %sub3A_328, %sub3A_328 : vector<16xf32>
        %eq3A_330 = arith.constant 0.000000e+00 : f32
        %eq3A_331 = vector.broadcast %eq3A_330 : f32 to vector<16xf32>
        %eq3A_332 = arith.cmpf oeq, %get3A_327, %eq3A_331 : vector<16xf32>
        %eq3A_333 = arith.constant 0.000000e+00 : f32
        %eq3A_334 = vector.broadcast %eq3A_333 : f32 to vector<16xf32>
        %eq3A_335 = arith.cmpf oeq, %get3A_317, %eq3A_334 : vector<16xf32>
        %eq3A_336 = arith.cmpf oeq, %get3A_317, %get3A_327 : vector<16xf32>
        %and3A_337 = arith.andi %eq3A_332, %eq3A_335 : vector<16xi1>
        %ne3A_338 = arith.xori %and3A_337, %eq3A_335 : vector<16xi1>
        %broadcast_in_dim3A_339 = arith.constant 0.000000e+00 : f32
        %broadcast_in_dim3A_340 = vector.broadcast %broadcast_in_dim3A_339 : f32 to vector<16xf32>
        %broadcast_in_dim3A_341 = arith.constant 0 : i32
        %broadcast_in_dim3A_342 = vector.broadcast %broadcast_in_dim3A_341 : i32 to vector<16xi32>
        %broadcast_in_dim3A_343 = arith.constant 1 : i32
        %broadcast_in_dim3A_344 = vector.broadcast %broadcast_in_dim3A_343 : i32 to vector<16xi32>
        %add3A_345 = arith.addf %scan3A_261, %mul3A_329 : vector<16xf32>
        %select_n3A_346 = arith.select %eq3A_332, %mul3A_329, %broadcast_in_dim3A_340 : vector<16xi1>, vector<16xf32>
        %add3A_347 = arith.addf %scan3A_262, %select_n3A_346 : vector<16xf32>
        %select_n3A_348 = arith.select %ne3A_338, %mul3A_329, %broadcast_in_dim3A_340 : vector<16xi1>, vector<16xf32>
        %add3A_349 = arith.addf %scan3A_263, %select_n3A_348 : vector<16xf32>
        %select_n3A_350 = arith.select %eq3A_332, %broadcast_in_dim3A_344, %broadcast_in_dim3A_342 : vector<16xi1>, vector<16xi32>
        %add3A_351 = arith.addi %scan3A_264, %select_n3A_350 : vector<16xi32>
        %select_n3A_352 = arith.select %eq3A_335, %broadcast_in_dim3A_344, %broadcast_in_dim3A_342 : vector<16xi1>, vector<16xi32>
        %add3A_353 = arith.addi %scan3A_265, %select_n3A_352 : vector<16xi32>
        %select_n3A_354 = arith.select %eq3A_336, %broadcast_in_dim3A_344, %broadcast_in_dim3A_342 : vector<16xi1>, vector<16xi32>
        %add3A_355 = arith.addi %scan3A_266, %select_n3A_354 : vector<16xi32>
        %select_n3A_356 = arith.select %and3A_337, %broadcast_in_dim3A_344, %broadcast_in_dim3A_342 : vector<16xi1>, vector<16xi32>
        %add3A_357 = arith.addi %scan3A_267, %select_n3A_356 : vector<16xi32>
        scf.yield %add3A_296, %add3A_297, %add3A_299, %add3A_301, %add3A_303, %add3A_305, %add3A_307, %add3A_345, %add3A_347, %add3A_349, %add3A_351, %add3A_353, %add3A_355, %add3A_357 : vector<16xf32>, vector<16xf32>, vector<16xf32>, vector<16xi32>, vector<16xi32>, vector<16xi32>, vector<16xi32>, vector<16xf32>, vector<16xf32>, vector<16xf32>, vector<16xi32>, vector<16xi32>, vector<16xi32>, vector<16xi32>
      }
      %scan3A_252 = arith.constant 256 : i32
      scf.yield %scan3A_251#0, %scan3A_251#1, %scan3A_251#2, %scan3A_251#3, %scan3A_251#4, %scan3A_251#5, %scan3A_251#6, %scan3A_251#7, %scan3A_251#8, %scan3A_251#9, %scan3A_251#10, %scan3A_251#11, %scan3A_251#12, %scan3A_251#13 : vector<16xf32>, vector<16xf32>, vector<16xf32>, vector<16xi32>, vector<16xi32>, vector<16xi32>, vector<16xi32>, vector<16xf32>, vector<16xf32>, vector<16xf32>, vector<16xi32>, vector<16xi32>, vector<16xi32>, vector<16xi32>
    }
    %scan3A_55 = arith.constant 73 : i32
    %dma_wait3A = arith.constant 0 : i32
    %dma_wait3A_56 = arith.constant 0 : i32
    %dma_wait3A_57 = tpu.memref_slice %arg5[%dma_wait3A, %dma_wait3A_56] : memref<2x8192xf32, #tpu.memory_space<vmem>> -> memref<1x8192xf32, #tpu.memory_space<vmem>>
    %dma_wait3A_58 = tpu.memref_squeeze %dma_wait3A_57 : memref<1x8192xf32, #tpu.memory_space<vmem>> -> memref<8192xf32, #tpu.memory_space<vmem>>
    %dma_wait3A_59 = tpu.memref_slice %arg2[%mul3A_2] : memref<38535168xf32, #tpu.memory_space<hbm>> -> memref<8192xf32, #tpu.memory_space<hbm>>
    %dma_wait3A_60 = arith.constant 0 : i32
    %dma_wait3A_61 = tpu.memref_slice %arg5[%dma_wait3A, %dma_wait3A_60] : memref<2x8192xf32, #tpu.memory_space<vmem>> -> memref<1x8192xf32, #tpu.memory_space<vmem>>
    %dma_wait3A_62 = tpu.memref_squeeze %dma_wait3A_61 : memref<1x8192xf32, #tpu.memory_space<vmem>> -> memref<8192xf32, #tpu.memory_space<vmem>>
    %dma_wait3A_63 = tpu.memref_slice %arg2[%mul3A_2] : memref<38535168xf32, #tpu.memory_space<hbm>> -> memref<8192xf32, #tpu.memory_space<hbm>>
    tpu.wait_dma2 semaphore(%arg8 : memref<!tpu.dma_semaphore, #tpu.memory_space<semaphore_mem>>) src(%dma_wait3A_63 : memref<8192xf32, #tpu.memory_space<hbm>>) dst(%dma_wait3A_62 : memref<8192xf32, #tpu.memory_space<vmem>>)
    %dma_wait3A_64 = arith.constant 0 : i32
    %dma_wait3A_65 = arith.constant 0 : i32
    %dma_wait3A_66 = tpu.memref_slice %arg6[%dma_wait3A_64, %dma_wait3A_65] : memref<2x8192xf32, #tpu.memory_space<vmem>> -> memref<1x8192xf32, #tpu.memory_space<vmem>>
    %dma_wait3A_67 = tpu.memref_squeeze %dma_wait3A_66 : memref<1x8192xf32, #tpu.memory_space<vmem>> -> memref<8192xf32, #tpu.memory_space<vmem>>
    %dma_wait3A_68 = tpu.memref_slice %arg3[%mul3A_2] : memref<38535168xf32, #tpu.memory_space<hbm>> -> memref<8192xf32, #tpu.memory_space<hbm>>
    %dma_wait3A_69 = arith.constant 0 : i32
    %dma_wait3A_70 = tpu.memref_slice %arg6[%dma_wait3A_64, %dma_wait3A_69] : memref<2x8192xf32, #tpu.memory_space<vmem>> -> memref<1x8192xf32, #tpu.memory_space<vmem>>
    %dma_wait3A_71 = tpu.memref_squeeze %dma_wait3A_70 : memref<1x8192xf32, #tpu.memory_space<vmem>> -> memref<8192xf32, #tpu.memory_space<vmem>>
    %dma_wait3A_72 = tpu.memref_slice %arg3[%mul3A_2] : memref<38535168xf32, #tpu.memory_space<hbm>> -> memref<8192xf32, #tpu.memory_space<hbm>>
    tpu.wait_dma2 semaphore(%arg8 : memref<!tpu.dma_semaphore, #tpu.memory_space<semaphore_mem>>) src(%dma_wait3A_72 : memref<8192xf32, #tpu.memory_space<hbm>>) dst(%dma_wait3A_71 : memref<8192xf32, #tpu.memory_space<vmem>>)
    %scan3A_73 = arith.constant 0 : i32
    %scan3A_74 = arith.constant 0 : i32
    %scan3A_75 = arith.constant 0 : i32
    %scan3A_76 = arith.constant 256 : i32
    %scan3A_77 = arith.addi %scan3A_75, %scan3A_76 : i32
    %scan3A_78 = arith.constant 1 : i32
    %scan3A_79:14 = scf.for %scan3A_132 = %scan3A_75 to %scan3A_77 step %scan3A_78 iter_args(%scan3A_133 = %scan3A_54#0, %scan3A_134 = %scan3A_54#1, %scan3A_135 = %scan3A_54#2, %scan3A_136 = %scan3A_54#3, %scan3A_137 = %scan3A_54#4, %scan3A_138 = %scan3A_54#5, %scan3A_139 = %scan3A_54#6, %scan3A_140 = %scan3A_54#7, %scan3A_141 = %scan3A_54#8, %scan3A_142 = %scan3A_54#9, %scan3A_143 = %scan3A_54#10, %scan3A_144 = %scan3A_54#11, %scan3A_145 = %scan3A_54#12, %scan3A_146 = %scan3A_54#13) -> (vector<16xf32>, vector<16xf32>, vector<16xf32>, vector<16xi32>, vector<16xi32>, vector<16xi32>, vector<16xi32>, vector<16xf32>, vector<16xf32>, vector<16xf32>, vector<16xi32>, vector<16xi32>, vector<16xi32>, vector<16xi32>)  : i32 {
      %mul3A_147 = arith.constant 32 : i32
      %mul3A_148 = arith.muli %scan3A_132, %mul3A_147 : i32
      %get3A = arith.constant 0 : i32
      %get3A_149 = tpu.memref_slice %arg5[%scan3A_73, %get3A] : memref<2x8192xf32, #tpu.memory_space<vmem>> -> memref<1x8192xf32, #tpu.memory_space<vmem>>
      %get3A_150 = tpu.memref_squeeze %get3A_149 : memref<1x8192xf32, #tpu.memory_space<vmem>> -> memref<8192xf32, #tpu.memory_space<vmem>>
      %get3A_151 = arith.index_cast %mul3A_148 : i32 to index
      %get3A_152 = tpu.vector_load %get3A_150[%get3A_151] {strides = array<i32>} : memref<8192xf32, #tpu.memory_space<vmem>>, vector<16xf32>,
      %get3A_153 = vector.shape_cast %get3A_152 : vector<16xf32> to vector<16xf32>
      %mul3A_154 = arith.constant 32 : i32
      %mul3A_155 = arith.muli %scan3A_132, %mul3A_154 : i32
      %get3A_156 = arith.constant 0 : i32
      %get3A_157 = tpu.memref_slice %arg6[%scan3A_74, %get3A_156] : memref<2x8192xf32, #tpu.memory_space<vmem>> -> memref<1x8192xf32, #tpu.memory_space<vmem>>
      %get3A_158 = tpu.memref_squeeze %get3A_157 : memref<1x8192xf32, #tpu.memory_space<vmem>> -> memref<8192xf32, #tpu.memory_space<vmem>>
      %get3A_159 = arith.index_cast %mul3A_155 : i32 to index
      %get3A_160 = tpu.vector_load %get3A_158[%get3A_159] {strides = array<i32>} : memref<8192xf32, #tpu.memory_space<vmem>>, vector<16xf32>,
      %get3A_161 = vector.shape_cast %get3A_160 : vector<16xf32> to vector<16xf32>
      %sub3A = arith.subf %get3A_153, %get3A_161 : vector<16xf32>
      %mul3A_162 = arith.mulf %sub3A, %sub3A : vector<16xf32>
      %eq3A = arith.constant 0.000000e+00 : f32
      %eq3A_163 = vector.broadcast %eq3A : f32 to vector<16xf32>
      %eq3A_164 = arith.cmpf oeq, %get3A_161, %eq3A_163 : vector<16xf32>
      %eq3A_165 = arith.constant 0.000000e+00 : f32
      %eq3A_166 = vector.broadcast %eq3A_165 : f32 to vector<16xf32>
      %eq3A_167 = arith.cmpf oeq, %get3A_153, %eq3A_166 : vector<16xf32>
      %eq3A_168 = arith.cmpf oeq, %get3A_153, %get3A_161 : vector<16xf32>
      %and3A = arith.andi %eq3A_164, %eq3A_167 : vector<16xi1>
      %ne3A = arith.xori %and3A, %eq3A_167 : vector<16xi1>
      %broadcast_in_dim3A_169 = arith.constant 0.000000e+00 : f32
      %broadcast_in_dim3A_170 = vector.broadcast %broadcast_in_dim3A_169 : f32 to vector<16xf32>
      %broadcast_in_dim3A_171 = arith.constant 0 : i32
      %broadcast_in_dim3A_172 = vector.broadcast %broadcast_in_dim3A_171 : i32 to vector<16xi32>
      %broadcast_in_dim3A_173 = arith.constant 1 : i32
      %broadcast_in_dim3A_174 = vector.broadcast %broadcast_in_dim3A_173 : i32 to vector<16xi32>
      %add3A_175 = arith.addf %scan3A_133, %mul3A_162 : vector<16xf32>
      %select_n3A = arith.select %eq3A_164, %mul3A_162, %broadcast_in_dim3A_170 : vector<16xi1>, vector<16xf32>
      %add3A_176 = arith.addf %scan3A_134, %select_n3A : vector<16xf32>
      %select_n3A_177 = arith.select %ne3A, %mul3A_162, %broadcast_in_dim3A_170 : vector<16xi1>, vector<16xf32>
      %add3A_178 = arith.addf %scan3A_135, %select_n3A_177 : vector<16xf32>
      %select_n3A_179 = arith.select %eq3A_164, %broadcast_in_dim3A_174, %broadcast_in_dim3A_172 : vector<16xi1>, vector<16xi32>
      %add3A_180 = arith.addi %scan3A_136, %select_n3A_179 : vector<16xi32>
      %select_n3A_181 = arith.select %eq3A_167, %broadcast_in_dim3A_174, %broadcast_in_dim3A_172 : vector<16xi1>, vector<16xi32>
      %add3A_182 = arith.addi %scan3A_137, %select_n3A_181 : vector<16xi32>
      %select_n3A_183 = arith.select %eq3A_168, %broadcast_in_dim3A_174, %broadcast_in_dim3A_172 : vector<16xi1>, vector<16xi32>
      %add3A_184 = arith.addi %scan3A_138, %select_n3A_183 : vector<16xi32>
      %select_n3A_185 = arith.select %and3A, %broadcast_in_dim3A_174, %broadcast_in_dim3A_172 : vector<16xi1>, vector<16xi32>
      %add3A_186 = arith.addi %scan3A_139, %select_n3A_185 : vector<16xi32>
      %mul3A_187 = arith.constant 32 : i32
      %mul3A_188 = arith.muli %scan3A_132, %mul3A_187 : i32
      %add3A_189 = arith.constant 16 : i32
      %add3A_190 = arith.addi %mul3A_188, %add3A_189 : i32
      %get3A_191 = arith.constant 0 : i32
      %get3A_192 = tpu.memref_slice %arg5[%scan3A_73, %get3A_191] : memref<2x8192xf32, #tpu.memory_space<vmem>> -> memref<1x8192xf32, #tpu.memory_space<vmem>>
      %get3A_193 = tpu.memref_squeeze %get3A_192 : memref<1x8192xf32, #tpu.memory_space<vmem>> -> memref<8192xf32, #tpu.memory_space<vmem>>
      %get3A_194 = arith.index_cast %add3A_190 : i32 to index
      %get3A_195 = tpu.vector_load %get3A_193[%get3A_194] {strides = array<i32>} : memref<8192xf32, #tpu.memory_space<vmem>>, vector<16xf32>,
      %get3A_196 = vector.shape_cast %get3A_195 : vector<16xf32> to vector<16xf32>
      %mul3A_197 = arith.constant 32 : i32
      %mul3A_198 = arith.muli %scan3A_132, %mul3A_197 : i32
      %add3A_199 = arith.constant 16 : i32
      %add3A_200 = arith.addi %mul3A_198, %add3A_199 : i32
      %get3A_201 = arith.constant 0 : i32
      %get3A_202 = tpu.memref_slice %arg6[%scan3A_74, %get3A_201] : memref<2x8192xf32, #tpu.memory_space<vmem>> -> memref<1x8192xf32, #tpu.memory_space<vmem>>
      %get3A_203 = tpu.memref_squeeze %get3A_202 : memref<1x8192xf32, #tpu.memory_space<vmem>> -> memref<8192xf32, #tpu.memory_space<vmem>>
      %get3A_204 = arith.index_cast %add3A_200 : i32 to index
      %get3A_205 = tpu.vector_load %get3A_203[%get3A_204] {strides = array<i32>} : memref<8192xf32, #tpu.memory_space<vmem>>, vector<16xf32>,
      %get3A_206 = vector.shape_cast %get3A_205 : vector<16xf32> to vector<16xf32>
      %sub3A_207 = arith.subf %get3A_196, %get3A_206 : vector<16xf32>
      %mul3A_208 = arith.mulf %sub3A_207, %sub3A_207 : vector<16xf32>
      %eq3A_209 = arith.constant 0.000000e+00 : f32
      %eq3A_210 = vector.broadcast %eq3A_209 : f32 to vector<16xf32>
      %eq3A_211 = arith.cmpf oeq, %get3A_206, %eq3A_210 : vector<16xf32>
      %eq3A_212 = arith.constant 0.000000e+00 : f32
      %eq3A_213 = vector.broadcast %eq3A_212 : f32 to vector<16xf32>
      %eq3A_214 = arith.cmpf oeq, %get3A_196, %eq3A_213 : vector<16xf32>
      %eq3A_215 = arith.cmpf oeq, %get3A_196, %get3A_206 : vector<16xf32>
      %and3A_216 = arith.andi %eq3A_211, %eq3A_214 : vector<16xi1>
      %ne3A_217 = arith.xori %and3A_216, %eq3A_214 : vector<16xi1>
      %broadcast_in_dim3A_218 = arith.constant 0.000000e+00 : f32
      %broadcast_in_dim3A_219 = vector.broadcast %broadcast_in_dim3A_218 : f32 to vector<16xf32>
      %broadcast_in_dim3A_220 = arith.constant 0 : i32
      %broadcast_in_dim3A_221 = vector.broadcast %broadcast_in_dim3A_220 : i32 to vector<16xi32>
      %broadcast_in_dim3A_222 = arith.constant 1 : i32
      %broadcast_in_dim3A_223 = vector.broadcast %broadcast_in_dim3A_222 : i32 to vector<16xi32>
      %add3A_224 = arith.addf %scan3A_140, %mul3A_208 : vector<16xf32>
      %select_n3A_225 = arith.select %eq3A_211, %mul3A_208, %broadcast_in_dim3A_219 : vector<16xi1>, vector<16xf32>
      %add3A_226 = arith.addf %scan3A_141, %select_n3A_225 : vector<16xf32>
      %select_n3A_227 = arith.select %ne3A_217, %mul3A_208, %broadcast_in_dim3A_219 : vector<16xi1>, vector<16xf32>
      %add3A_228 = arith.addf %scan3A_142, %select_n3A_227 : vector<16xf32>
      %select_n3A_229 = arith.select %eq3A_211, %broadcast_in_dim3A_223, %broadcast_in_dim3A_221 : vector<16xi1>, vector<16xi32>
      %add3A_230 = arith.addi %scan3A_143, %select_n3A_229 : vector<16xi32>
      %select_n3A_231 = arith.select %eq3A_214, %broadcast_in_dim3A_223, %broadcast_in_dim3A_221 : vector<16xi1>, vector<16xi32>
      %add3A_232 = arith.addi %scan3A_144, %select_n3A_231 : vector<16xi32>
      %select_n3A_233 = arith.select %eq3A_215, %broadcast_in_dim3A_223, %broadcast_in_dim3A_221 : vector<16xi1>, vector<16xi32>
      %add3A_234 = arith.addi %scan3A_145, %select_n3A_233 : vector<16xi32>
      %select_n3A_235 = arith.select %and3A_216, %broadcast_in_dim3A_223, %broadcast_in_dim3A_221 : vector<16xi1>, vector<16xi32>
      %add3A_236 = arith.addi %scan3A_146, %select_n3A_235 : vector<16xi32>
      scf.yield %add3A_175, %add3A_176, %add3A_178, %add3A_180, %add3A_182, %add3A_184, %add3A_186, %add3A_224, %add3A_226, %add3A_228, %add3A_230, %add3A_232, %add3A_234, %add3A_236 : vector<16xf32>, vector<16xf32>, vector<16xf32>, vector<16xi32>, vector<16xi32>, vector<16xi32>, vector<16xi32>, vector<16xf32>, vector<16xf32>, vector<16xf32>, vector<16xi32>, vector<16xi32>, vector<16xi32>, vector<16xi32>
    }
    %scan3A_80 = arith.constant 256 : i32
    %add3A_81 = arith.addf %scan3A_79#0, %scan3A_79#7 : vector<16xf32>
    %swap3A = arith.constant 0 : i32
    %swap3A_82 = arith.index_cast %swap3A : i32 to index
    %swap3A_83 = arith.constant 0 : index
    %swap3A_84 = tpu.vector_load %arg7[%swap3A_82, %swap3A_83] {strides = array<i32>} : memref<7x16xf32, #tpu.memory_space<vmem>>, vector<1x16xf32>,
    %swap3A_85 = vector.shape_cast %swap3A_84 : vector<1x16xf32> to vector<16xf32>
    %swap3A_86 = vector.shape_cast %add3A_81 : vector<16xf32> to vector<1x16xf32>
    tpu.vector_store %arg7[%swap3A_82, %swap3A_83], %swap3A_86 {strides = array<i32>} : memref<7x16xf32, #tpu.memory_space<vmem>>, vector<1x16xf32>,
    %add3A_87 = arith.addf %scan3A_79#1, %scan3A_79#8 : vector<16xf32>
    %swap3A_88 = arith.constant 1 : i32
    %swap3A_89 = arith.index_cast %swap3A_88 : i32 to index
    %swap3A_90 = arith.constant 0 : index
    %swap3A_91 = tpu.vector_load %arg7[%swap3A_89, %swap3A_90] {strides = array<i32>} : memref<7x16xf32, #tpu.memory_space<vmem>>, vector<1x16xf32>,
    %swap3A_92 = vector.shape_cast %swap3A_91 : vector<1x16xf32> to vector<16xf32>
    %swap3A_93 = vector.shape_cast %add3A_87 : vector<16xf32> to vector<1x16xf32>
    tpu.vector_store %arg7[%swap3A_89, %swap3A_90], %swap3A_93 {strides = array<i32>} : memref<7x16xf32, #tpu.memory_space<vmem>>, vector<1x16xf32>,
    %add3A_94 = arith.addf %scan3A_79#2, %scan3A_79#9 : vector<16xf32>
    %swap3A_95 = arith.constant 2 : i32
    %swap3A_96 = arith.index_cast %swap3A_95 : i32 to index
    %swap3A_97 = arith.constant 0 : index
    %swap3A_98 = tpu.vector_load %arg7[%swap3A_96, %swap3A_97] {strides = array<i32>} : memref<7x16xf32, #tpu.memory_space<vmem>>, vector<1x16xf32>,
    %swap3A_99 = vector.shape_cast %swap3A_98 : vector<1x16xf32> to vector<16xf32>
    %swap3A_100 = vector.shape_cast %add3A_94 : vector<16xf32> to vector<1x16xf32>
    tpu.vector_store %arg7[%swap3A_96, %swap3A_97], %swap3A_100 {strides = array<i32>} : memref<7x16xf32, #tpu.memory_space<vmem>>, vector<1x16xf32>,
    %add3A_101 = arith.addi %scan3A_79#3, %scan3A_79#10 : vector<16xi32>
    %convert_element_type3A = arith.sitofp %add3A_101 : vector<16xi32> to vector<16xf32>
    %swap3A_102 = arith.constant 3 : i32
    %swap3A_103 = arith.index_cast %swap3A_102 : i32 to index
    %swap3A_104 = arith.constant 0 : index
    %swap3A_105 = tpu.vector_load %arg7[%swap3A_103, %swap3A_104] {strides = array<i32>} : memref<7x16xf32, #tpu.memory_space<vmem>>, vector<1x16xf32>,
    %swap3A_106 = vector.shape_cast %swap3A_105 : vector<1x16xf32> to vector<16xf32>
    %swap3A_107 = vector.shape_cast %convert_element_type3A : vector<16xf32> to vector<1x16xf32>
    tpu.vector_store %arg7[%swap3A_103, %swap3A_104], %swap3A_107 {strides = array<i32>} : memref<7x16xf32, #tpu.memory_space<vmem>>, vector<1x16xf32>,
    %add3A_108 = arith.addi %scan3A_79#4, %scan3A_79#11 : vector<16xi32>
    %convert_element_type3A_109 = arith.sitofp %add3A_108 : vector<16xi32> to vector<16xf32>
    %swap3A_110 = arith.constant 4 : i32
    %swap3A_111 = arith.index_cast %swap3A_110 : i32 to index
    %swap3A_112 = arith.constant 0 : index
    %swap3A_113 = tpu.vector_load %arg7[%swap3A_111, %swap3A_112] {strides = array<i32>} : memref<7x16xf32, #tpu.memory_space<vmem>>, vector<1x16xf32>,
    %swap3A_114 = vector.shape_cast %swap3A_113 : vector<1x16xf32> to vector<16xf32>
    %swap3A_115 = vector.shape_cast %convert_element_type3A_109 : vector<16xf32> to vector<1x16xf32>
    tpu.vector_store %arg7[%swap3A_111, %swap3A_112], %swap3A_115 {strides = array<i32>} : memref<7x16xf32, #tpu.memory_space<vmem>>, vector<1x16xf32>,
    %add3A_116 = arith.addi %scan3A_79#5, %scan3A_79#12 : vector<16xi32>
    %convert_element_type3A_117 = arith.sitofp %add3A_116 : vector<16xi32> to vector<16xf32>
    %swap3A_118 = arith.constant 5 : i32
    %swap3A_119 = arith.index_cast %swap3A_118 : i32 to index
    %swap3A_120 = arith.constant 0 : index
    %swap3A_121 = tpu.vector_load %arg7[%swap3A_119, %swap3A_120] {strides = array<i32>} : memref<7x16xf32, #tpu.memory_space<vmem>>, vector<1x16xf32>,
    %swap3A_122 = vector.shape_cast %swap3A_121 : vector<1x16xf32> to vector<16xf32>
    %swap3A_123 = vector.shape_cast %convert_element_type3A_117 : vector<16xf32> to vector<1x16xf32>
    tpu.vector_store %arg7[%swap3A_119, %swap3A_120], %swap3A_123 {strides = array<i32>} : memref<7x16xf32, #tpu.memory_space<vmem>>, vector<1x16xf32>,
    %add3A_124 = arith.addi %scan3A_79#6, %scan3A_79#13 : vector<16xi32>
    %convert_element_type3A_125 = arith.sitofp %add3A_124 : vector<16xi32> to vector<16xf32>
    %swap3A_126 = arith.constant 6 : i32
    %swap3A_127 = arith.index_cast %swap3A_126 : i32 to index
    %swap3A_128 = arith.constant 0 : index
    %swap3A_129 = tpu.vector_load %arg7[%swap3A_127, %swap3A_128] {strides = array<i32>} : memref<7x16xf32, #tpu.memory_space<vmem>>, vector<1x16xf32>,
    %swap3A_130 = vector.shape_cast %swap3A_129 : vector<1x16xf32> to vector<16xf32>
    %swap3A_131 = vector.shape_cast %convert_element_type3A_125 : vector<16xf32> to vector<1x16xf32>
    tpu.vector_store %arg7[%swap3A_127, %swap3A_128], %swap3A_131 {strides = array<i32>} : memref<7x16xf32, #tpu.memory_space<vmem>>, vector<1x16xf32>,
    "tpu.region"() ({
      %run_scoped3A = tpu.sem_alloc : memref<!tpu.dma_semaphore, #tpu.memory_space<semaphore_mem>>
      %dma_start3A_132 = arith.constant 0 : i32
      %dma_start3A_133 = arith.constant 0 : i32
      %dma_start3A_134 = tpu.memref_slice %arg4[%add3A, %dma_start3A_132, %dma_start3A_133] : memref<32x7x16xf32, #tpu.memory_space<hbm>> -> memref<1x7x16xf32, #tpu.memory_space<hbm>>
      %dma_start3A_135 = tpu.memref_squeeze %dma_start3A_134 : memref<1x7x16xf32, #tpu.memory_space<hbm>> -> memref<7x16xf32, #tpu.memory_space<hbm>>
      %dma_start3A_136 = arith.constant 0 : i32
      %dma_start3A_137 = arith.constant 0 : i32
      %dma_start3A_138 = tpu.memref_slice %arg4[%add3A, %dma_start3A_136, %dma_start3A_137] : memref<32x7x16xf32, #tpu.memory_space<hbm>> -> memref<1x7x16xf32, #tpu.memory_space<hbm>>
      %dma_start3A_139 = tpu.memref_squeeze %dma_start3A_138 : memref<1x7x16xf32, #tpu.memory_space<hbm>> -> memref<7x16xf32, #tpu.memory_space<hbm>>
      tpu.enqueue_dma source(%arg7 : memref<7x16xf32, #tpu.memory_space<vmem>>) target(%dma_start3A_139 : memref<7x16xf32, #tpu.memory_space<hbm>>) target_semaphore(%run_scoped3A : memref<!tpu.dma_semaphore, #tpu.memory_space<semaphore_mem>>)
      %dma_wait3A_140 = arith.constant 0 : i32
      %dma_wait3A_141 = arith.constant 0 : i32
      %dma_wait3A_142 = tpu.memref_slice %arg4[%add3A, %dma_wait3A_140, %dma_wait3A_141] : memref<32x7x16xf32, #tpu.memory_space<hbm>> -> memref<1x7x16xf32, #tpu.memory_space<hbm>>
      %dma_wait3A_143 = tpu.memref_squeeze %dma_wait3A_142 : memref<1x7x16xf32, #tpu.memory_space<hbm>> -> memref<7x16xf32, #tpu.memory_space<hbm>>
      %dma_wait3A_144 = arith.constant 0 : i32
      %dma_wait3A_145 = arith.constant 0 : i32
      %dma_wait3A_146 = tpu.memref_slice %arg4[%add3A, %dma_wait3A_144, %dma_wait3A_145] : memref<32x7x16xf32, #tpu.memory_space<hbm>> -> memref<1x7x16xf32, #tpu.memory_space<hbm>>
      %dma_wait3A_147 = tpu.memref_squeeze %dma_wait3A_146 : memref<1x7x16xf32, #tpu.memory_space<hbm>> -> memref<7x16xf32, #tpu.memory_space<hbm>>
      tpu.wait_dma2 semaphore(%run_scoped3A : memref<!tpu.dma_semaphore, #tpu.memory_space<semaphore_mem>>) src(%arg7 : memref<7x16xf32, #tpu.memory_space<vmem>>) dst(%dma_wait3A_147 : memref<7x16xf32, #tpu.memory_space<hbm>>)
      tpu.yield
    }) : () -> ()
    return
  }
}

module attributes {stable_mosaic.version = 14 : i64} {
  func.func @_combine_body(%arg0: memref<32x7x16xf32, #tpu.memory_space<vmem>>, %arg1: memref<1x1xf32, #tpu.memory_space<smem>>) attributes {dimension_semantics = [], scalar_prefetch = 0 : i64, scratch_operands = 0 : i64, tpu.core_type = #tpu.core_type<tc>} {
    %get3A = arith.constant 0 : index
    %get3A_0 = arith.constant 0 : index
    %get3A_1 = arith.constant 0 : index
    %get3A_2 = vector.load %arg0[%get3A, %get3A_0, %get3A_1] : memref<32x7x16xf32, #tpu.memory_space<vmem>>, vector<32x7x16xf32>
    %slice3A = vector.extract_strided_slice %get3A_2 {offsets = [0, 0, 0], sizes = [32, 1, 16], strides = [1, 1, 1]} : vector<32x7x16xf32> to vector<32x1x16xf32>
    %squeeze3A = vector.shape_cast %slice3A : vector<32x1x16xf32> to vector<32x16xf32>
    %reduce_sum3A = vector.shape_cast %squeeze3A : vector<32x16xf32> to vector<1x32x16xf32>
    %reduce_sum3A_3 = arith.constant dense<0.000000e+00> : vector<1xf32>
    %reduce_sum3A_4 = vector.multi_reduction <add>, %reduce_sum3A, %reduce_sum3A_3 [1, 2] : vector<1x32x16xf32> to vector<1xf32>
    %reduce_sum3A_5 = vector.shape_cast %reduce_sum3A_4 : vector<1xf32> to vector<1x1x1xf32>
    %reduce_sum3A_6 = vector.extract %reduce_sum3A_5[0, 0, 0] : f32 from vector<1x1x1xf32>
    %slice3A_7 = vector.extract_strided_slice %get3A_2 {offsets = [0, 1, 0], sizes = [32, 1, 16], strides = [1, 1, 1]} : vector<32x7x16xf32> to vector<32x1x16xf32>
    %squeeze3A_8 = vector.shape_cast %slice3A_7 : vector<32x1x16xf32> to vector<32x16xf32>
    %reduce_sum3A_9 = vector.shape_cast %squeeze3A_8 : vector<32x16xf32> to vector<1x32x16xf32>
    %reduce_sum3A_10 = arith.constant dense<0.000000e+00> : vector<1xf32>
    %reduce_sum3A_11 = vector.multi_reduction <add>, %reduce_sum3A_9, %reduce_sum3A_10 [1, 2] : vector<1x32x16xf32> to vector<1xf32>
    %reduce_sum3A_12 = vector.shape_cast %reduce_sum3A_11 : vector<1xf32> to vector<1x1x1xf32>
    %reduce_sum3A_13 = vector.extract %reduce_sum3A_12[0, 0, 0] : f32 from vector<1x1x1xf32>
    %slice3A_14 = vector.extract_strided_slice %get3A_2 {offsets = [0, 2, 0], sizes = [32, 1, 16], strides = [1, 1, 1]} : vector<32x7x16xf32> to vector<32x1x16xf32>
    %squeeze3A_15 = vector.shape_cast %slice3A_14 : vector<32x1x16xf32> to vector<32x16xf32>
    %reduce_sum3A_16 = vector.shape_cast %squeeze3A_15 : vector<32x16xf32> to vector<1x32x16xf32>
    %reduce_sum3A_17 = arith.constant dense<0.000000e+00> : vector<1xf32>
    %reduce_sum3A_18 = vector.multi_reduction <add>, %reduce_sum3A_16, %reduce_sum3A_17 [1, 2] : vector<1x32x16xf32> to vector<1xf32>
    %reduce_sum3A_19 = vector.shape_cast %reduce_sum3A_18 : vector<1xf32> to vector<1x1x1xf32>
    %reduce_sum3A_20 = vector.extract %reduce_sum3A_19[0, 0, 0] : f32 from vector<1x1x1xf32>
    %slice3A_21 = vector.extract_strided_slice %get3A_2 {offsets = [0, 3, 0], sizes = [32, 1, 16], strides = [1, 1, 1]} : vector<32x7x16xf32> to vector<32x1x16xf32>
    %squeeze3A_22 = vector.shape_cast %slice3A_21 : vector<32x1x16xf32> to vector<32x16xf32>
    %convert_element_type3A = arith.fptosi %squeeze3A_22 : vector<32x16xf32> to vector<32x16xi32>
    %reduce_sum3A_23 = vector.shape_cast %convert_element_type3A : vector<32x16xi32> to vector<1x32x16xi32>
    %reduce_sum3A_24 = arith.constant dense<0> : vector<1xi32>
    %reduce_sum3A_25 = vector.multi_reduction <add>, %reduce_sum3A_23, %reduce_sum3A_24 [1, 2] : vector<1x32x16xi32> to vector<1xi32>
    %reduce_sum3A_26 = vector.shape_cast %reduce_sum3A_25 : vector<1xi32> to vector<1x1x1xi32>
    %reduce_sum3A_27 = vector.extract %reduce_sum3A_26[0, 0, 0] : i32 from vector<1x1x1xi32>
    %slice3A_28 = vector.extract_strided_slice %get3A_2 {offsets = [0, 4, 0], sizes = [32, 1, 16], strides = [1, 1, 1]} : vector<32x7x16xf32> to vector<32x1x16xf32>
    %squeeze3A_29 = vector.shape_cast %slice3A_28 : vector<32x1x16xf32> to vector<32x16xf32>
    %convert_element_type3A_30 = arith.fptosi %squeeze3A_29 : vector<32x16xf32> to vector<32x16xi32>
    %reduce_sum3A_31 = vector.shape_cast %convert_element_type3A_30 : vector<32x16xi32> to vector<1x32x16xi32>
    %reduce_sum3A_32 = arith.constant dense<0> : vector<1xi32>
    %reduce_sum3A_33 = vector.multi_reduction <add>, %reduce_sum3A_31, %reduce_sum3A_32 [1, 2] : vector<1x32x16xi32> to vector<1xi32>
    %reduce_sum3A_34 = vector.shape_cast %reduce_sum3A_33 : vector<1xi32> to vector<1x1x1xi32>
    %reduce_sum3A_35 = vector.extract %reduce_sum3A_34[0, 0, 0] : i32 from vector<1x1x1xi32>
    %slice3A_36 = vector.extract_strided_slice %get3A_2 {offsets = [0, 5, 0], sizes = [32, 1, 16], strides = [1, 1, 1]} : vector<32x7x16xf32> to vector<32x1x16xf32>
    %squeeze3A_37 = vector.shape_cast %slice3A_36 : vector<32x1x16xf32> to vector<32x16xf32>
    %convert_element_type3A_38 = arith.fptosi %squeeze3A_37 : vector<32x16xf32> to vector<32x16xi32>
    %reduce_sum3A_39 = vector.shape_cast %convert_element_type3A_38 : vector<32x16xi32> to vector<1x32x16xi32>
    %reduce_sum3A_40 = arith.constant dense<0> : vector<1xi32>
    %reduce_sum3A_41 = vector.multi_reduction <add>, %reduce_sum3A_39, %reduce_sum3A_40 [1, 2] : vector<1x32x16xi32> to vector<1xi32>
    %reduce_sum3A_42 = vector.shape_cast %reduce_sum3A_41 : vector<1xi32> to vector<1x1x1xi32>
    %reduce_sum3A_43 = vector.extract %reduce_sum3A_42[0, 0, 0] : i32 from vector<1x1x1xi32>
    %slice3A_44 = vector.extract_strided_slice %get3A_2 {offsets = [0, 6, 0], sizes = [32, 1, 16], strides = [1, 1, 1]} : vector<32x7x16xf32> to vector<32x1x16xf32>
    %squeeze3A_45 = vector.shape_cast %slice3A_44 : vector<32x1x16xf32> to vector<32x16xf32>
    %convert_element_type3A_46 = arith.fptosi %squeeze3A_45 : vector<32x16xf32> to vector<32x16xi32>
    %reduce_sum3A_47 = vector.shape_cast %convert_element_type3A_46 : vector<32x16xi32> to vector<1x32x16xi32>
    %reduce_sum3A_48 = arith.constant dense<0> : vector<1xi32>
    %reduce_sum3A_49 = vector.multi_reduction <add>, %reduce_sum3A_47, %reduce_sum3A_48 [1, 2] : vector<1x32x16xi32> to vector<1xi32>
    %reduce_sum3A_50 = vector.shape_cast %reduce_sum3A_49 : vector<1xi32> to vector<1x1x1xi32>
    %reduce_sum3A_51 = vector.extract %reduce_sum3A_50[0, 0, 0] : i32 from vector<1x1x1xi32>
    %sub3A = arith.subi %reduce_sum3A_35, %reduce_sum3A_51 : i32
    %sub3A_52 = arith.subi %reduce_sum3A_43, %reduce_sum3A_51 : i32
    %sub3A_53 = arith.constant 38535168 : i32
    %sub3A_54 = arith.subi %sub3A_53, %reduce_sum3A_27 : i32
    %sub3A_55 = arith.subf %reduce_sum3A_6, %reduce_sum3A_13 : f32
    %sub3A_56 = arith.subi %sub3A_54, %sub3A : i32
    %sub3A_57 = arith.subf %sub3A_55, %reduce_sum3A_20 : f32
    %sub3A_58 = arith.subi %reduce_sum3A_27, %reduce_sum3A_51 : i32
    %div3A = arith.constant 0x4C130000 : f32
    %div3A_59 = arith.divf %reduce_sum3A_6, %div3A : f32
    %max3A = arith.constant 1 : i32
    %max3A_60 = arith.maxsi %reduce_sum3A_27, %max3A : i32
    %convert_element_type3A_61 = arith.sitofp %max3A_60 : i32 to f32
    %div3A_62 = arith.divf %reduce_sum3A_13, %convert_element_type3A_61 : f32
    %eq3A = arith.constant 0 : i32
    %eq3A_63 = arith.cmpi eq, %reduce_sum3A_27, %eq3A : i32
    %jit3A = arith.constant 0.000000e+00 : f32
    %select_n3A = arith.select %eq3A_63, %jit3A, %div3A_62 : f32
    %max3A_64 = arith.constant 1 : i32
    %max3A_65 = arith.maxsi %sub3A_54, %max3A_64 : i32
    %convert_element_type3A_66 = arith.sitofp %max3A_65 : i32 to f32
    %div3A_67 = arith.divf %sub3A_55, %convert_element_type3A_66 : f32
    %eq3A_68 = arith.constant 0 : i32
    %eq3A_69 = arith.cmpi eq, %sub3A_54, %eq3A_68 : i32
    %jit3A_70 = arith.constant 0.000000e+00 : f32
    %select_n3A_71 = arith.select %eq3A_69, %jit3A_70, %div3A_67 : f32
    %eq3A_72 = arith.constant 0 : i32
    %eq3A_73 = arith.cmpi eq, %sub3A_52, %eq3A_72 : i32
    %jit3A_74 = arith.constant 1.000000e+01 : f32
    %jit3A_75 = arith.constant 0.000000e+00 : f32
    %select_n3A_76 = arith.select %eq3A_73, %jit3A_74, %jit3A_75 : f32
    %max3A_77 = arith.constant 1 : i32
    %max3A_78 = arith.maxsi %sub3A, %max3A_77 : i32
    %convert_element_type3A_79 = arith.sitofp %max3A_78 : i32 to f32
    %div3A_80 = arith.divf %reduce_sum3A_20, %convert_element_type3A_79 : f32
    %eq3A_81 = arith.constant 0 : i32
    %eq3A_82 = arith.cmpi eq, %sub3A, %eq3A_81 : i32
    %jit3A_83 = arith.constant 0.000000e+00 : f32
    %select_n3A_84 = arith.select %eq3A_82, %jit3A_83, %div3A_80 : f32
    %max3A_85 = arith.constant 1 : i32
    %max3A_86 = arith.maxsi %sub3A_56, %max3A_85 : i32
    %convert_element_type3A_87 = arith.sitofp %max3A_86 : i32 to f32
    %div3A_88 = arith.divf %sub3A_57, %convert_element_type3A_87 : f32
    %eq3A_89 = arith.constant 0 : i32
    %eq3A_90 = arith.cmpi eq, %sub3A_56, %eq3A_89 : i32
    %jit3A_91 = arith.constant 0.000000e+00 : f32
    %select_n3A_92 = arith.select %eq3A_90, %jit3A_91, %div3A_88 : f32
    %eq3A_93 = arith.constant 0 : i32
    %eq3A_94 = arith.cmpi eq, %reduce_sum3A_51, %eq3A_93 : i32
    %jit3A_95 = arith.constant 1.000000e+01 : f32
    %jit3A_96 = arith.constant 0.000000e+00 : f32
    %select_n3A_97 = arith.select %eq3A_94, %jit3A_95, %jit3A_96 : f32
    %max3A_98 = arith.constant 1 : i32
    %max3A_99 = arith.maxsi %sub3A_58, %max3A_98 : i32
    %convert_element_type3A_100 = arith.sitofp %max3A_99 : i32 to f32
    %div3A_101 = arith.divf %reduce_sum3A_13, %convert_element_type3A_100 : f32
    %eq3A_102 = arith.constant 0 : i32
    %eq3A_103 = arith.cmpi eq, %sub3A_58, %eq3A_102 : i32
    %jit3A_104 = arith.constant 1.000000e+01 : f32
    %select_n3A_105 = arith.select %eq3A_103, %jit3A_104, %div3A_101 : f32
    %add3A = arith.addf %select_n3A_105, %select_n3A_84 : f32
    %add3A_106 = arith.addf %add3A, %select_n3A_92 : f32
    %add3A_107 = arith.addf %add3A_106, %select_n3A_97 : f32
    %add3A_108 = arith.addf %add3A_107, %select_n3A_76 : f32
    %add3A_109 = arith.addf %add3A_108, %div3A_59 : f32
    %add3A_110 = arith.addf %add3A_109, %select_n3A : f32
    %add3A_111 = arith.addf %add3A_110, %select_n3A_71 : f32
    %swap3A = arith.constant 0 : index
    %swap3A_112 = arith.constant 0 : index
    %swap3A_113 = memref.load %arg1[%swap3A, %swap3A_112] : memref<1x1xf32, #tpu.memory_space<smem>>
    memref.store %add3A_111, %arg1[%swap3A, %swap3A_112] : memref<1x1xf32, #tpu.memory_space<smem>>
    return
  }
}

</mosaic_0001>

<sc_bundles>
// kernel: kernel.4.cloned.1.call-start
scs
__scs_entry_jumppad:
0x0: {  	(pc) =	sbr.rel $0x88, $3  }
0x1: {  	(tag) =	ssettag $0x0;
	lr =	simm.s32 $0x1  }
0x2: {  	[smem:$0x3F9F] =	sst lr;
	_ =	strace $0xD0000000  }
0x3: {  	_ = 	snop  }
0x4: {  	_ = 	snop  }
0x5: {  	_ = 	snop  }
0x6: {  	_ = 	snop  }
0x7: {  	_ = 	snop  }
__scs_overlays_trampoline_lowered:
0x8: {  	[smem:$0x3FAE] =	sst s0  }
0x9: {  	[smem:$0x3FAF] =	sst s1  }
0xa: {  	[smem:$0x3FB0] =	sst s2  }
0xb: {  	[smem:$0x3FB1] =	sst s3  }
0xc: {  	[smem:$0x3FB2] =	sst s4  }
0xd: {  	[smem:$0x3FB3] =	sst s5  }
0xe: {  	[smem:$0x3FB4] =	sst s6  }
0xf: {  	[smem:$0x3FB5] =	sst s7  }
0x10: {  	[smem:$0x3FB6] =	sst s8  }
0x11: {  	[smem:$0x3FB7] =	sst s9;
	s0 =	simm.s32 @!p0 $0x0  }
0x12: {  	s1 =	sld [smem:$0x3F9D];
	s0 =	simm.s32 @p0 $0x1  }
0x13: {  	[smem:$0x3FB8] =	sst s0;
	s0 =	simm.s32 @!p1 $0x0  }
0x14: {  	s2 =	sld [smem:$0x3F9C];
	s0 =	simm.s32 @p1 $0x1  }
0x15: {  	[smem:$0x3FB9] =	sst s0;
	s0 =	simm.s32 @!p2 $0x0  }
0x16: {  	s3 =	sld [smem:$0x3FDB];
	s0 =	simm.s32 @p2 $0x1  }
0x17: {  	s4 =	simm.s32 $0x1BF5;
	[smem:$0x3FBB] =	sst s0  }
0x18: {  	s0 =	sld [smem:$0x3F9E];
	_ =	swait.ge [sflag:s4], $0x0  }
0x19: {  	s7 =	sld [smem:$0x3F9F]  }
0x1a: {  	s8 =	sadd.s32 $0xFFFFE003, lr  }
0x1b: {  	s9 =	sadd.s32 $0xFFFFFEF7, lr;
	s5 =	simm.s32 $0xFFFFFFFF;
	p2 =	slt.u32 s8, $0xFFFFF086  }
0x1c: {  	p1 =	slt.u32 s9, $0xF7A;
	s5 =	simm.s32 @!p2 $0x0  }
0x1d: {  	s5 =	simm.s32 @p1 $0x1;
	p0 =	seq.s32 s7, s2  }
0x1e: {  	s7 =	smul.u32 @!p0 $0xF7A, s2;
	p2 =	seq.s32 @!p0 s5, $0x0  }
0x1f: {  	s9 =	smul.u32 $0xF7A, s1;
	s8 =	simm.s32 @!p0 $0x1BF5;
	p2 =	por !p2, p0  }
0x20: {  	[sflag:s8] =	ssyncset.s32 @!p0 $0xFFFFF086;
	s6 =	sadd.s32 @!p0 s3, s7;
	s7 =	simm.s32 @!p0 $0x108  }
0x21: {  	s3 =	sadd.s32 s3, s9;
	s6 =	sadd.s32 @!p0 $0x88, s6;
	s7 =	simm.s32 @p2 $0x1082  }
0x22: {  	[simem:s7], [sflag:s8] =	dma.local @!p0 [hbm:s6], $0xF7A  }
0x23: {  	s9 =	sor.u32 $0xD0000000, s2;
	s6 =	simm.s32 $0x108;
	_ =	swait.ge @!p0 [sflag:s8], $0x0  }
0x24: {  	s3 =	sadd.s32 $0x88, s3;
	s6 =	simm.s32 @!p1 $0x1082;
	[sflag:s4] =	ssyncset.s32 $0xFFFFF086  }
0x25: {  	[simem:s6], [sflag:s4] =	dma.local [hbm:s3], $0xF7A  }
0x26: {  	[smem:$0x3F9F] =	sst s1;
	(tag) =	ssettag s2;
	_ =	strace s9  }
0x27: {  	s1 =	sld [smem:$0x3FAF]  }
0x28: {  	s2 =	sld [smem:$0x3FB0]  }
0x29: {  	s4 =	sld [smem:$0x3FB2]  }
0x2a: {  	p0 =	seq.s32 s5, $0x0;
	s5 =	sld [smem:$0x3FB3]  }
0x2b: {  	s6 =	sld [smem:$0x3FB4]  }
0x2c: {  	s7 =	sld [smem:$0x3FB5]  }
0x2d: {  	s3 =	simm.s32 $0x108;
	s8 =	sld [smem:$0x3FB6]  }
0x2e: {  	s3 =	simm.s32 @!p0 $0x1082;
	s9 =	sld [smem:$0x3FB7]  }
0x2f: {  	lr =	sadd.s32 s0, s3;
	s0 =	sld [smem:$0x3FAE]  }
0x30: {  	s3 =	sld [smem:$0x3FB1]  }
0x31: {  	[smem:$0x3FBA] =	sst s10  }
0x32: {  	s10 =	sld [smem:$0x3FB8];
	_ =	sdelay $0x3  }
0x33: {  	p0 =	seq.s32 s10, $0x1;
	s10 =	sld [smem:$0x3FBA];
	_ =	sdelay $0x3  }
0x34: {  	[smem:$0x3FBA] =	sst s10  }
0x35: {  	s10 =	sld [smem:$0x3FB9];
	_ =	sdelay $0x3  }
0x36: {  	p1 =	seq.s32 s10, $0x1;
	s10 =	sld [smem:$0x3FBA];
	_ =	sdelay $0x3  }
0x37: {  	[smem:$0x3FBA] =	sst s10  }
0x38: {  	s10 =	sld [smem:$0x3FBB]  }
0x39: {  	_ = 	snop;
	(pc) =	sbr.ind lr, $3  }
0x3a: {  	_ = 	snop  }
0x3b: {  	_ = 	snop  }
0x3c: {  	p2 =	seq.s32 s10, $0x1;
	s10 =	sld [smem:$0x3FBA]  }
0x3d: {  	_ =	shalt  }
0x3e: {  	_ =	shalt  }
0x3f: {  	_ =	shalt  }
0x40: {  	_ =	shalt  }
0x41: {  	_ =	shalt  }
0x42: {  	_ =	shalt  }
0x43: {  	_ =	shalt  }
0x44: {  	_ =	shalt  }
0x45: {  	_ =	shalt  }
0x46: {  	_ =	shalt  }
0x47: {  	_ =	shalt  }
0x48: {  	_ =	shalt  }
0x49: {  	_ =	shalt  }
0x4a: {  	_ =	shalt  }
0x4b: {  	_ =	shalt  }
0x4c: {  	_ =	shalt  }
0x4d: {  	_ =	shalt  }
0x4e: {  	_ =	shalt  }
0x4f: {  	_ =	shalt  }
0x50: {  	_ =	shalt  }
0x51: {  	_ =	shalt  }
0x52: {  	_ =	shalt  }
0x53: {  	_ =	shalt  }
0x54: {  	_ =	shalt  }
0x55: {  	_ =	shalt  }
0x56: {  	_ =	shalt  }
0x57: {  	_ =	shalt  }
0x58: {  	_ =	shalt  }
0x59: {  	_ =	shalt  }
0x5a: {  	_ =	shalt  }
0x5b: {  	_ =	shalt  }
0x5c: {  	_ =	shalt  }
0x5d: {  	_ =	shalt  }
0x5e: {  	_ =	shalt  }
0x5f: {  	_ =	shalt  }
0x60: {  	_ =	shalt  }
0x61: {  	_ =	shalt  }
0x62: {  	_ =	shalt  }
0x63: {  	_ =	shalt  }
0x64: {  	_ =	shalt  }
0x65: {  	_ =	shalt  }
0x66: {  	_ =	shalt  }
0x67: {  	_ =	shalt  }
0x68: {  	_ =	shalt  }
0x69: {  	_ =	shalt  }
0x6a: {  	_ =	shalt  }
0x6b: {  	_ =	shalt  }
0x6c: {  	_ =	shalt  }
0x6d: {  	_ =	shalt  }
0x6e: {  	_ =	shalt  }
0x6f: {  	_ =	shalt  }
0x70: {  	_ =	shalt  }
0x71: {  	_ =	shalt  }
0x72: {  	_ =	shalt  }
0x73: {  	_ =	shalt  }
0x74: {  	_ =	shalt  }
0x75: {  	_ =	shalt  }
0x76: {  	_ =	shalt  }
0x77: {  	_ =	shalt  }
0x78: {  	_ =	shalt  }
0x79: {  	_ =	shalt  }
0x7a: {  	_ =	shalt  }
0x7b: {  	_ =	shalt  }
0x7c: {  	_ =	shalt  }
0x7d: {  	_ =	shalt  }
0x7e: {  	_ =	shalt  }
0x7f: {  	_ =	shalt  }
0x80: {  	_ =	shalt  }
0x81: {  	_ =	shalt  }
0x82: {  	_ =	shalt  }
0x83: {  	_ =	shalt  }
0x84: {  	_ =	shalt  }
0x85: {  	_ =	shalt  }
0x86: {  	_ =	shalt  }
0x87: {  	_ =	shalt  }
.Lfunc_end0:
.L_simem_size_0:
called_computation_lowered:
.L_overlay_start_0:
0x88: {  	s2 =	sld [smem:$0x3FD9]  }
0x89: {  	s3 =	sld [smem:$0x3FFE];
	_ =	sdelay $0x1  }
0x8a: {  	s1 =	srdreg.scid  }
0x8b: {  	s0 =	sand.u32 $0x1, s1  }
0x8c: {  	s16 =	sshll.u32 s0, $0xA;
	s2 =	sadd.s32 s3, s2  }
0x8d: {  	s2 =	sadd.s32 s2, s16  }
0x8e: {  	[smem:$0x3FC6] =	sst s2  }
0x8f: {  	_ = 	snop  }
0x90: {  	(tm) =	ssettm $0x1  }
0x91: {  	s17 =	sld [smem:$0x3FFB];
	_ =	sdelay $0x3  }
0x92: {  	_ =	strace s17  }
0x93: {  	s2 =	sld [smem:$0x3FFC];
	_ =	sdelay $0x3  }
0x94: {  	_ =	strace s2  }
0x95: {  	s2 =	sld [smem:$0x3FFD];
	_ =	sdelay $0x3  }
0x96: {  	_ =	strace s2  }
0x97: {  	_ =	strace $0x8FFFFFFF  }
0x98: {  	s18 =	sld [smem:$0x3FDB];
	_ =	sdelay $0x1  }
0x99: {  	s19 =	simm.s32 $_scs_section_size  }
0x9a: {  	s4 =	simm.s32 $_size__tile_overlayer_lowered;
	s5 =	simm.s32 $_tile_overlayer_lowered  }
0x9b: {  	s22 =	simm.s32 $0x1BFF;
	s21 =	sshll.u32 s5, $0x1;
	s2 =	sadd.s32 s19, s18  }
0x9c: {  	s6 =	simm.s32 $0x0;
	s20 =	sshll.u32 s4, $0x1;
	s4 =	sadd.s32 s21, s2  }
0x9d: {  	[timem:s6], [sflag:s22] =	dma.local [hbm:s4], s20  }
0x9e: {  	_ =	swait.ge [sflag:s22], s20  }
0x9f: {  	s3 =	ssub.s32 $0x0, s20;
	[sflag:s22] =	ssyncset.done $0x0  }
0xa0: {  	[sflag:s22] =	ssyncadd.s32 s3;
	_ =	sdelay $0x1  }
0xa1: {  	s23 =	simm.s32 $0x1B8B  }
0xa2: {  	_ =	swait.ge [sflag:s23], $0x1  }
0xa3: {  	[sflag:s23] =	ssyncset.done $0x0  }
0xa4: {  	s25 =	simm.s32 $0x1B8E;
	s24 =	sld [smem:$0x3FFE];
	[sflag:s23] =	ssyncadd.s32 $0xFFFFFFFF  }
0xa5: {  	s26 =	simm.s32 $execute0_lowered;
	[smem:$0x3FD2] =	sst s25  }
0xa6: {  	s4 =	sshll.u32 s26, $0x1;
	_ =	strace $0x80000046;
	[dreg:$0x1] =	wrdreg $0xFFFFFFFF  }
0xa7: {  	s28 =	simm.s32 $_size_execute0_lowered;
	s2 =	sadd.s32 s2, s4;
	[dreg:$0x0] =	wrdreg $0x0  }
0xa8: {  	s4 =	sshll.u32 s28, $0x1;
	[dreg:$0x2] =	wrdreg s2  }
0xa9: {  	[dreg:$0x3] =	wrdreg s4  }
0xaa: {  	[dreg:$0x4] =	wrdreg $0xC0  }
0xab: {  	_ =	task [dreg:s6], $0x5FFFF  }
0xac: {  	[dreg:$0x1] =	wrdreg $0xFFFFFFFF  }
0xad: {  	[dreg:$0x0] =	wrdreg $0x60  }
0xae: {  	[dreg:$0x2] =	wrdreg s24  }
0xaf: {  	[dreg:$0x3] =	wrdreg $0x9  }
0xb0: {  	_ =	task.clear_ibuf [dreg:s6], $0x4FFFF;
	_ =	strace $0x90000046  }
0xb1: {  	s29 =	simm.s32 $0x9;
	_ =	strace $0x80000048  }
0xb2: {  	_ =	swait.ge [sflag:s29], $0x1  }
0xb3: {  	[sflag:s29] =	ssyncadd.s32 $0xFFFFFFFF  }
0xb4: {  	_ =	strace $0x90000048  }
0xb5: {  	_ =	sfence  }
0xb6: {  	s30 =	sld [smem:$0x0];
	_ =	sdelay $0x2  }
0xb7: {  	s31 =	sshll.u32 s1, $0xD;
	s1 =	sshrl.u32 s1, $0x2  }
0xb8: {  	s3 =	sand.u32 $0x4000, s31;
	s1 =	sadd.s32 s1, s30  }
0xb9: {  	s0 =	sor.u32 s3, s0;
	s1 =	sshll.u32 s1, $0x11  }
0xba: {  	s0 =	sor.u32 s1, s0  }
0xbb: {  	s0 =	sadd.s32 $0x8F2B, s0  }
0xbc: {  	[sflag:s0] =	ssyncadd.remote.s32 $0x1  }
0xbd: {  	_ =	sfence.sel $0xFFFF  }
0xbe: {  	[dreg:$0x0] =	wrdreg $0xFFFFFFFF;
	(pc) =	sbr.abs _section_cstart, $3  }
0xbf: {  	[dreg:$0x1] =	wrdreg $0xFFFFFFFF  }
0xc0: {  	_ =	task.clear_ibuf [dreg:s6], $0x2FFFF;
	_ =	strace $0x9FFFFFFF  }
0xc1: {  	(tm) =	ssettm $0x7FFFFFFF  }
tec
execute0_lowered:
.L_overlay_start_1:
0x0: {  	(tag) =	ssettag $0x1  }
0x1: {  	s5 =	rddreg [dreg:$0x0]  }
0x2: {  	s0 =	rddreg [dreg:$0x1];
	s3 =	srdreg.scid  }
0x3: {  	s1 =	stileid.u32;
	s2 =	simm.s32 $0x0;
	s11 =	simm.s32 $0x1  }
0x4: {  	s12 =	simm.s32 $0x2;
	s13 =	simm.s32 $0x8000;
	s14 =	simm.s32 $0x3  }
0x5: {  	s15 =	simm.s32 $0x0;
	s6 =	sand.u32 $0x1, s3;
	s29 =	sshll.u32 s1, $0x1  }
0x6: {  	[smem:$0x7FF] =	sst s2;
	s3 =	sadd.s32 $0x600, s5;
	s7 =	sor.u32 s6, s29  }
0x7: {  	s4 =	sadd.s32 $0x498600, s5;
	s6 =	ssub.s32 $0x2, s6;
	s8 =	smul.u32 $0x126000, s7  }
0x8: {  	_ =	strace $0x80000047;
	s7 =	sshll.u32 s7, $0x7;
	s30 =	sshrl.u32 s6, $0x1  }
0x9: {  	s9 =	sadd.s32 s7, s5;
	s10 =	ssub.s32 s6, s30;
	s31 =	sshrl.u32 s8, $0x3  }
0xa: {  	s7 =	sadd.s32 $0x2000, s8;
	s8 =	sadd.s32 $0x4000, s8;
	s9 =	sadd.s32 $0x930600, s9  }
0xb: {  	v0 =	vimm.s32 $0x0;
	s10 =	smax.u32 s10, $0x1;
	s5 =	sadd.s32 s3, s31;
	s6 =	sadd.s32 s4, s31  }
.LBB2_1:
0xc: {  	s16 =	simm.s32 $0x10  }
0xd: {  	s19 =	sadd.s32 $0x0, s5;
	s17 =	simm.s32 $0x100;
	s18 =	simm.s32 $0x0  }
.LBB2_2:
0xe: {  	[tilespmem:s18], [sflag:$0x1] =	stream.linear.gather [hbm4b:s19+s2], $0x80, $0x38;
	[tilespmem:$0x8400] =	vst v63  }
0xf: {  	s19 =	smov.u32 s16;
	s18 =	smov.u32 s17;
	p0 =	sne.s32 s16, $0x3F0  }
.Ltmp0:
0x10: {  	s16 =	sadd.s32 $0x10, s16;
	(pc) =	sbr.rel @p0 .LBB2_2-.Ltmp0, $2  }
0x11: {  	_ =	sdelay $0x2  }
0x12: {  	s17 =	sadd.s32 $0x100, s17;
	s19 =	sadd.s32 s19, s5  }
0x13: {  	[tilespmem:s18], [sflag:$0x1] =	stream.linear.gather [hbm4b:s19+s2], $0x80, $0x38;
	[tilespmem:$0x8400] =	vst v63  }
0x14: {  	s16 =	simm.s32 $0x0;
	s17 =	simm.s32 $0x4000;
	s18 =	simm.s32 $0x0  }
.LBB2_4:
0x15: {  	p0 =	sne.s32 s18, $0x3F0  }
.Ltmp1:
0x16: {  	_ = 	snop;
	(pc) =	sbr.rel @p0 .LBB2_4-.Ltmp1, $4  }
0x17: {  	_ = 	snop  }
0x18: {  	s19 =	sadd.s32 s18, s6  }
0x19: {  	[tilespmem:s17], [sflag:$0x1] =	stream.linear.gather [hbm4b:s19+s16], $0x80, $0x38;
	[tilespmem:$0x8400] =	vst v63  }
0x1a: {  	s18 =	sadd.s32 $0x10, s18;
	s17 =	sadd.s32 $0x100, s17  }
0x1b: {  	v5 =	vimm.f32 $0.0e+00;
	v3 =	vimm.s32 $0x0  }
0x1c: {  	v1 =	vimm.s32 $0x0;
	v2 =	vimm.s32 $0x0;
	v4 =	vimm.s32 $0x0  }
0x1d: {  	v14 =	vimm.f32 $0.0e+00;
	v6 =	vimm.f32 $0.0e+00;
	v10 =	vimm.s32 $0x0  }
0x1e: {  	v7 =	vimm.s32 $0x0;
	v8 =	vimm.s32 $0x0;
	v9 =	vimm.s32 $0x0  }
0x1f: {  	v12 =	vimm.f32 $0.0e+00;
	v13 =	vimm.f32 $0.0e+00;
	v11 =	vimm.f32 $0.0e+00  }
.LBB2_6:
0x20: {  	s17 =	sshll.u32 s16, $0xE  }
0x21: {  	s18 =	sadd.s32 s17, s7  }
0x22: {  	s18 =	sshrl.u32 s18, $0x3  }
0x23: {  	s20 =	simm.s32 $0x80;
	s19 =	sadd.s32 s3, s18  }
0x24: {  	s21 =	simm.s32 $0x10;
	s22 =	simm.s32 $0x180;
	s23 =	sadd.s32 $0x0, s19  }
.LBB2_7:
0x25: {  	[tilespmem:s20], [sflag:$0x2] =	stream.linear.gather [hbm4b:s23+s2], $0x80, $0x38;
	[tilespmem:$0x8400] =	vst v63  }
0x26: {  	s23 =	smov.u32 s21;
	s20 =	smov.u32 s22;
	p0 =	sne.s32 s21, $0x3F0  }
.Ltmp2:
0x27: {  	s21 =	sadd.s32 $0x10, s21;
	(pc) =	sbr.rel @p0 .LBB2_7-.Ltmp2, $2  }
0x28: {  	_ =	sdelay $0x2  }
0x29: {  	s22 =	sadd.s32 $0x100, s22;
	s23 =	sadd.s32 s23, s19  }
0x2a: {  	[tilespmem:s20], [sflag:$0x2] =	stream.linear.gather [hbm4b:s23+s2], $0x80, $0x38;
	[tilespmem:$0x8400] =	vst v63  }
0x2b: {  	s18 =	sadd.s32 s4, s18;
	s19 =	simm.s32 $0x4080  }
0x2c: {  	s20 =	simm.s32 $0x10;
	s21 =	simm.s32 $0x4180;
	s22 =	sadd.s32 $0x0, s18  }
.LBB2_9:
0x2d: {  	[tilespmem:s19], [sflag:$0x2] =	stream.linear.gather [hbm4b:s22+s2], $0x80, $0x38;
	[tilespmem:$0x8400] =	vst v63  }
0x2e: {  	s22 =	smov.u32 s20;
	s19 =	smov.u32 s21;
	p0 =	sne.s32 s20, $0x3F0  }
.Ltmp3:
0x2f: {  	s20 =	sadd.s32 $0x10, s20;
	(pc) =	sbr.rel @p0 .LBB2_9-.Ltmp3, $2  }
0x30: {  	_ =	sdelay $0x2  }
0x31: {  	s21 =	sadd.s32 $0x100, s21;
	s22 =	sadd.s32 s22, s18  }
0x32: {  	[tilespmem:s19], [sflag:$0x2] =	stream.linear.gather [hbm4b:s22+s2], $0x80, $0x38;
	[tilespmem:$0x8400] =	vst v63  }
0x33: {  	_ =	swait.ge [sflag:s11], $0x2000  }
0x34: {  	[sflag:s11] =	ssyncset.done $0x0  }
0x35: {  	[sflag:s11] =	ssyncadd.s32 $0xFFFFE000  }
0x36: {  	s18 =	simm.s32 $0x0;
	_ =	swait.ge [sflag:s11], $0x2000  }
0x37: {  	s30 =	sand.u32 $0x60, s18;
	s18 =	sand.u32 $0x3F00, s18;
	[sflag:s11] =	ssyncset.done $0x0  }
0x38: {  	s18 =	sor.u32 s30, s18;
	[sflag:s11] =	ssyncadd.s32 $0xFFFFE000  }
0x39: {  	v15 =	vld [tilespmem:s18+$0x10]  }
0x3a: {  	v16 =	vld [tilespmem:s18+$0x4010]  }
0x3b: {  	v17 =	vld [tilespmem:s18+$0x0]  }
0x3c: {  	v18 =	vld [tilespmem:s18+$0x4000];
	_ =	sdelay $0x2  }
0x3d: {  	v19 =	vsub.f32 v15, v16;
	vm0 =	veq.f32 v15, v16  }
0x3e: {  	vm4 =	veq.f32 v17, $0.0e+00;
	vm1 =	veq.f32 v16, $0.0e+00;
	vm2 =	veq.f32 v15, $0.0e+00  }
0x3f: {  	v16 =	vsub.f32 v17, v18;
	vm6 =	veq.f32 v18, $0.0e+00;
	vm3 =	veq.f32 v17, v18  }
0x40: {  	vm5 =	vmand vm2, vm1;
	vm8 =	vmand vm4, vm6;
	v20 =	vsel vm6, $0x1, v0  }
0x41: {  	v15 =	vmul.f32 v19, v19;
	vm7 =	vmxor vm2, vm5;
	v16 =	vmul.f32 v16, v16  }
0x42: {  	s31 =	simm.s32 $0x20;
	s18 =	simm.s32 $0x40;
	vm15 =	vmxor vm4, vm8;
	v19 =	vsel vm8, $0x1, v0;
	v21 =	vsel vm5, $0x1, v0  }
0x43: {  	s19 =	sand.u32 $0x60, s31;
	s20 =	sand.u32 $0x3F00, s18;
	v18 =	vnsel vm7, $0x0, v15;
	v17 =	vnsel vm1, $0x0, v15;
	v22 =	vnsel vm6, $0x0, v16  }
0x44: {  	s20 =	sor.u32 s19, s20;
	s19 =	simm.s32 $0x40;
	v23 =	vnsel vm15, $0x0, v16;
	v14 =	vadd.f32 v18, v14;
	v18 =	vsel vm4, $0x1, v0  }
.LBB2_11:
0x45: {  	p0 =	sne.s32 s19, $0x1FE0;
	v24 =	vld [tilespmem:s20+$0x10];
	v25 =	vsel vm3, $0x1, v0;
	v26 =	vsel vm1, $0x1, v0;
	v27 =	vsel vm2, $0x1, v0  }
0x46: {  	v13 =	vadd.f32 v22, v13;
	v12 =	vadd.f32 v23, v12;
	v22 =	vsel vm0, $0x1, v0;
	v28 =	vld [tilespmem:s20+$0x4010]  }
0x47: {  	v11 =	vadd.f32 v16, v11;
	v10 =	vadd.s32 v19, v10;
	v5 =	vadd.f32 v17, v5;
	v23 =	vld [tilespmem:s20+$0x0]  }
0x48: {  	v9 =	vadd.s32 v20, v9;
	v6 =	vadd.f32 v15, v6;
	v3 =	vadd.s32 v21, v3;
	v16 =	vld [tilespmem:s20+$0x4000]  }
0x49: {  	v8 =	vadd.s32 v18, v8;
	v7 =	vadd.s32 v25, v7;
	v4 =	vadd.s32 v26, v4  }
0x4a: {  	v2 =	vadd.s32 v27, v2;
	v1 =	vadd.s32 v22, v1  }
0x4b: {  	v15 =	vsub.f32 v24, v28;
	vm0 =	veq.f32 v24, v28  }
0x4c: {  	vm2 =	veq.f32 v24, $0.0e+00;
	vm1 =	veq.f32 v28, $0.0e+00;
	vm4 =	veq.f32 v23, $0.0e+00  }
0x4d: {  	vm5 =	vmand vm2, vm1;
	v17 =	vsub.f32 v23, v16;
	v15 =	vmul.f32 v15, v15  }
.Ltmp4:
0x4e: {  	vm6 =	veq.f32 v16, $0.0e+00;
	vm3 =	veq.f32 v23, v16;
	vm7 =	vmxor vm2, vm5;
	(pc) =	sbr.rel @p0 .LBB2_11-.Ltmp4, $4  }
0x4f: {  	vm8 =	vmand vm4, vm6;
	v16 =	vmul.f32 v17, v17;
	v18 =	vnsel vm7, $0x0, v15  }
0x50: {  	s18 =	sadd.s32 $0x40, s18;
	vm7 =	vmxor vm4, vm8;
	v17 =	vnsel vm1, $0x0, v15;
	v14 =	vadd.f32 v18, v14  }
0x51: {  	s21 =	sand.u32 $0x3F00, s18;
	s20 =	sand.u32 $0x60, s19;
	v19 =	vsel vm8, $0x1, v0;
	v22 =	vnsel vm6, $0x0, v16;
	v23 =	vnsel vm7, $0x0, v16  }
0x52: {  	s19 =	sadd.s32 $0x20, s19;
	s20 =	sor.u32 s20, s21;
	v21 =	vsel vm5, $0x1, v0;
	v20 =	vsel vm6, $0x1, v0;
	v18 =	vsel vm4, $0x1, v0  }
0x53: {  	v24 =	vld [tilespmem:s20+$0x10]  }
0x54: {  	v25 =	vsel vm3, $0x1, v0;
	v26 =	vsel vm1, $0x1, v0;
	v27 =	vsel vm2, $0x1, v0;
	v28 =	vld [tilespmem:s20+$0x4010]  }
0x55: {  	v13 =	vadd.f32 v22, v13;
	v12 =	vadd.f32 v23, v12;
	v52 =	vsel vm0, $0x1, v0;
	v53 =	vld [tilespmem:s20+$0x0]  }
0x56: {  	v11 =	vadd.f32 v16, v11;
	v10 =	vadd.s32 v19, v10;
	v54 =	vadd.f32 v17, v5;
	v5 =	vld [tilespmem:s20+$0x4000]  }
0x57: {  	v9 =	vadd.s32 v20, v9;
	v15 =	vadd.f32 v15, v6;
	v55 =	vadd.s32 v21, v3  }
0x58: {  	v18 =	vadd.s32 v18, v8;
	v56 =	vadd.s32 v25, v7;
	v57 =	vadd.s32 v26, v4  }
0x59: {  	v58 =	vadd.s32 v27, v2;
	v22 =	vadd.s32 v52, v1;
	v1 =	vsub.f32 v24, v28  }
0x5a: {  	vm0 =	veq.f32 v24, v28;
	vm12 =	veq.f32 v53, $0.0e+00;
	vm13 =	veq.f32 v28, $0.0e+00  }
0x5b: {  	vm14 =	veq.f32 v24, $0.0e+00;
	v2 =	vsub.f32 v53, v5;
	vm5 =	veq.f32 v5, $0.0e+00  }
0x5c: {  	vm6 =	veq.f32 v53, v5;
	vm4 =	vmand vm14, vm13;
	vm8 =	vmand vm12, vm5  }
0x5d: {  	v8 =	vsel vm5, $0x1, v0;
	v59 =	vsel vm12, $0x1, v0;
	v61 =	vsel vm6, $0x1, v0  }
0x5e: {  	v62 =	vsel vm13, $0x1, v0;
	v63 =	vsel vm14, $0x1, v0;
	v4 =	vmul.f32 v1, v1  }
0x5f: {  	vm7 =	vmxor vm14, vm4;
	v1 =	vmul.f32 v2, v2;
	vm15 =	vmxor vm12, vm8  }
0x60: {  	v7 =	vsel vm8, $0x1, v0;
	v60 =	vsel vm4, $0x1, v0;
	v2 =	vnsel vm7, $0x0, v4  }
0x61: {  	v3 =	vnsel vm13, $0x0, v4;
	v6 =	vnsel vm15, $0x0, v1;
	v4 =	vadd.f32 v4, v15  }
0x62: {  	v14 =	vadd.f32 v2, v14;
	v2 =	vnsel vm5, $0x0, v1;
	v6 =	vadd.f32 v6, v12  }
0x63: {  	s17 =	sadd.s32 s17, s8;
	v1 =	vadd.f32 v1, v11;
	v11 =	vadd.s32 v62, v57;
	v12 =	vadd.s32 v63, v58  }
0x64: {  	s17 =	sshrl.u32 s17, $0x3;
	v5 =	vadd.f32 v2, v13;
	v13 =	vsel vm0, $0x1, v0;
	v2 =	vadd.s32 v7, v10  }
0x65: {  	s19 =	simm.s32 $0x0;
	s18 =	sadd.s32 s3, s17;
	v7 =	vadd.f32 v3, v54;
	v3 =	vadd.s32 v8, v9;
	v8 =	vadd.s32 v60, v55  }
0x66: {  	s20 =	simm.s32 $0x10;
	s21 =	simm.s32 $0x100;
	s22 =	sadd.s32 $0x0, s18;
	v9 =	vadd.s32 v59, v18;
	v10 =	vadd.s32 v61, v56;
	v13 =	vadd.s32 v13, v22  }
.LBB2_13:
0x67: {  	[tilespmem:s19], [sflag:$0x1] =	stream.linear.gather [hbm4b:s22+s2], $0x80, $0x38;
	[tilespmem:$0x8400] =	vst v63  }
0x68: {  	s22 =	smov.u32 s20;
	s19 =	smov.u32 s21;
	p0 =	sne.s32 s20, $0x3F0  }
.Ltmp5:
0x69: {  	s20 =	sadd.s32 $0x10, s20;
	(pc) =	sbr.rel @p0 .LBB2_13-.Ltmp5, $2  }
0x6a: {  	_ =	sdelay $0x2  }
0x6b: {  	s21 =	sadd.s32 $0x100, s21;
	s22 =	sadd.s32 s22, s18  }
0x6c: {  	[tilespmem:s19], [sflag:$0x1] =	stream.linear.gather [hbm4b:s22+s2], $0x80, $0x38;
	[tilespmem:$0x8400] =	vst v63  }
0x6d: {  	s17 =	sadd.s32 s4, s17;
	s18 =	simm.s32 $0x4000  }
0x6e: {  	s19 =	simm.s32 $0x10;
	s20 =	simm.s32 $0x4100;
	s21 =	sadd.s32 $0x0, s17  }
.LBB2_15:
0x6f: {  	[tilespmem:s18], [sflag:$0x1] =	stream.linear.gather [hbm4b:s21+s2], $0x80, $0x38;
	[tilespmem:$0x8400] =	vst v63  }
0x70: {  	s21 =	smov.u32 s19;
	s18 =	smov.u32 s20;
	p0 =	sne.s32 s19, $0x3F0  }
.Ltmp6:
0x71: {  	s19 =	sadd.s32 $0x10, s19;
	(pc) =	sbr.rel @p0 .LBB2_15-.Ltmp6, $2  }
0x72: {  	_ =	sdelay $0x2  }
0x73: {  	s20 =	sadd.s32 $0x100, s20;
	s21 =	sadd.s32 s21, s17  }
0x74: {  	[tilespmem:s18], [sflag:$0x1] =	stream.linear.gather [hbm4b:s21+s2], $0x80, $0x38;
	[tilespmem:$0x8400] =	vst v63  }
0x75: {  	_ =	swait.ge [sflag:s12], $0x2000  }
0x76: {  	[sflag:s12] =	ssyncset.done $0x0  }
0x77: {  	[sflag:s12] =	ssyncadd.s32 $0xFFFFE000  }
0x78: {  	s17 =	simm.s32 $0x0;
	_ =	swait.ge [sflag:s12], $0x2000  }
0x79: {  	s30 =	sand.u32 $0x60, s17;
	s17 =	sand.u32 $0x3F00, s17;
	[sflag:s12] =	ssyncset.done $0x0  }
0x7a: {  	s17 =	sor.u32 s30, s17;
	[sflag:s12] =	ssyncadd.s32 $0xFFFFE000  }
0x7b: {  	v15 =	vld [tilespmem:s17+$0x90]  }
0x7c: {  	v16 =	vld [tilespmem:s17+$0x4090]  }
0x7d: {  	v17 =	vld [tilespmem:s17+$0x80]  }
0x7e: {  	v18 =	vld [tilespmem:s17+$0x4080];
	_ =	sdelay $0x2  }
0x7f: {  	v19 =	vsub.f32 v15, v16;
	vm0 =	veq.f32 v15, v16  }
0x80: {  	vm4 =	veq.f32 v17, $0.0e+00;
	vm1 =	veq.f32 v16, $0.0e+00;
	vm2 =	veq.f32 v15, $0.0e+00  }
0x81: {  	v16 =	vsub.f32 v17, v18;
	vm6 =	veq.f32 v18, $0.0e+00;
	vm3 =	veq.f32 v17, v18  }
0x82: {  	vm5 =	vmand vm2, vm1;
	vm8 =	vmand vm4, vm6;
	v20 =	vsel vm6, $0x1, v0  }
0x83: {  	v15 =	vmul.f32 v19, v19;
	vm7 =	vmxor vm2, vm5;
	v16 =	vmul.f32 v16, v16  }
0x84: {  	s31 =	simm.s32 $0x20;
	s17 =	simm.s32 $0x40;
	vm15 =	vmxor vm4, vm8;
	v19 =	vsel vm8, $0x1, v0;
	v21 =	vsel vm5, $0x1, v0  }
0x85: {  	s18 =	sand.u32 $0x60, s31;
	s19 =	sand.u32 $0x3F00, s17;
	v18 =	vnsel vm7, $0x0, v15;
	v17 =	vnsel vm1, $0x0, v15;
	v22 =	vnsel vm6, $0x0, v16  }
0x86: {  	s19 =	sor.u32 s18, s19;
	s18 =	simm.s32 $0x40;
	v23 =	vnsel vm15, $0x0, v16;
	v14 =	vadd.f32 v18, v14;
	v18 =	vsel vm4, $0x1, v0  }
.LBB2_17:
0x87: {  	p0 =	sne.s32 s18, $0x1FE0;
	v24 =	vld [tilespmem:s19+$0x90];
	v25 =	vsel vm3, $0x1, v0;
	v26 =	vsel vm1, $0x1, v0;
	v27 =	vsel vm2, $0x1, v0  }
0x88: {  	v5 =	vadd.f32 v22, v5;
	v6 =	vadd.f32 v23, v6;
	v22 =	vsel vm0, $0x1, v0;
	v28 =	vld [tilespmem:s19+$0x4090]  }
0x89: {  	v1 =	vadd.f32 v16, v1;
	v2 =	vadd.s32 v19, v2;
	v7 =	vadd.f32 v17, v7;
	v23 =	vld [tilespmem:s19+$0x80]  }
0x8a: {  	v3 =	vadd.s32 v20, v3;
	v4 =	vadd.f32 v15, v4;
	v8 =	vadd.s32 v21, v8;
	v16 =	vld [tilespmem:s19+$0x4080]  }
0x8b: {  	v9 =	vadd.s32 v18, v9;
	v10 =	vadd.s32 v25, v10;
	v11 =	vadd.s32 v26, v11  }
0x8c: {  	v12 =	vadd.s32 v27, v12;
	v13 =	vadd.s32 v22, v13  }
0x8d: {  	v15 =	vsub.f32 v24, v28;
	vm0 =	veq.f32 v24, v28  }
0x8e: {  	vm2 =	veq.f32 v24, $0.0e+00;
	vm1 =	veq.f32 v28, $0.0e+00;
	vm4 =	veq.f32 v23, $0.0e+00  }
0x8f: {  	vm5 =	vmand vm2, vm1;
	v17 =	vsub.f32 v23, v16;
	v15 =	vmul.f32 v15, v15  }
.Ltmp7:
0x90: {  	vm6 =	veq.f32 v16, $0.0e+00;
	vm3 =	veq.f32 v23, v16;
	vm7 =	vmxor vm2, vm5;
	(pc) =	sbr.rel @p0 .LBB2_17-.Ltmp7, $4  }
0x91: {  	vm8 =	vmand vm4, vm6;
	v16 =	vmul.f32 v17, v17;
	v18 =	vnsel vm7, $0x0, v15  }
0x92: {  	s17 =	sadd.s32 $0x40, s17;
	vm7 =	vmxor vm4, vm8;
	v17 =	vnsel vm1, $0x0, v15;
	v14 =	vadd.f32 v18, v14  }
0x93: {  	s20 =	sand.u32 $0x3F00, s17;
	s19 =	sand.u32 $0x60, s18;
	v19 =	vsel vm8, $0x1, v0;
	v22 =	vnsel vm6, $0x0, v16;
	v23 =	vnsel vm7, $0x0, v16  }
0x94: {  	s18 =	sadd.s32 $0x20, s18;
	s19 =	sor.u32 s19, s20;
	v21 =	vsel vm5, $0x1, v0;
	v20 =	vsel vm6, $0x1, v0;
	v18 =	vsel vm4, $0x1, v0  }
0x95: {  	v24 =	vld [tilespmem:s19+$0x90]  }
0x96: {  	v25 =	vsel vm3, $0x1, v0;
	v26 =	vsel vm1, $0x1, v0;
	v27 =	vsel vm2, $0x1, v0;
	v28 =	vld [tilespmem:s19+$0x4090]  }
0x97: {  	v5 =	vadd.f32 v22, v5;
	v6 =	vadd.f32 v23, v6;
	v48 =	vsel vm0, $0x1, v0;
	v49 =	vld [tilespmem:s19+$0x80]  }
0x98: {  	v1 =	vadd.f32 v16, v1;
	v2 =	vadd.s32 v19, v2;
	v7 =	vadd.f32 v17, v7;
	v50 =	vld [tilespmem:s19+$0x4080]  }
0x99: {  	v3 =	vadd.s32 v20, v3;
	v4 =	vadd.f32 v15, v4;
	v8 =	vadd.s32 v21, v8  }
0x9a: {  	v15 =	vadd.s32 v18, v9;
	v51 =	vadd.s32 v25, v10;
	v52 =	vadd.s32 v26, v11  }
0x9b: {  	v53 =	vadd.s32 v27, v12;
	v54 =	vadd.s32 v48, v13;
	v9 =	vsub.f32 v24, v28  }
0x9c: {  	vm0 =	veq.f32 v24, v28;
	vm12 =	veq.f32 v49, $0.0e+00;
	vm13 =	veq.f32 v28, $0.0e+00  }
0x9d: {  	vm14 =	veq.f32 v24, $0.0e+00;
	v10 =	vsub.f32 v49, v50;
	vm5 =	veq.f32 v50, $0.0e+00  }
0x9e: {  	vm6 =	veq.f32 v49, v50;
	vm4 =	vmand vm14, vm13;
	vm8 =	vmand vm12, vm5  }
0x9f: {  	v58 =	vsel vm5, $0x1, v0;
	v59 =	vsel vm12, $0x1, v0;
	v61 =	vsel vm6, $0x1, v0  }
0xa0: {  	v62 =	vsel vm13, $0x1, v0;
	v63 =	vsel vm14, $0x1, v0;
	v29 =	vsel vm0, $0x1, v0  }
0xa1: {  	v55 =	vmul.f32 v9, v9;
	vm7 =	vmxor vm14, vm4;
	v9 =	vmul.f32 v10, v10  }
0xa2: {  	s16 =	sadd.s32 $0x1, s16;
	vm15 =	vmxor vm12, vm8;
	v57 =	vsel vm8, $0x1, v0;
	v60 =	vsel vm4, $0x1, v0  }
0xa3: {  	p0 =	sne.s32 s16, $0x49;
	v10 =	vnsel vm7, $0x0, v55;
	v56 =	vnsel vm13, $0x0, v55;
	v11 =	vnsel vm15, $0x0, v9  }
.Ltmp8:
0xa4: {  	v14 =	vadd.f32 v10, v14;
	v10 =	vnsel vm5, $0x0, v9;
	v12 =	vadd.f32 v11, v6;
	(pc) =	sbr.rel @p0 .LBB2_6-.Ltmp8, $4  }
0xa5: {  	v11 =	vadd.f32 v9, v1;
	v9 =	vadd.s32 v58, v3;
	v6 =	vadd.f32 v55, v4  }
0xa6: {  	v3 =	vadd.s32 v60, v8;
	v8 =	vadd.s32 v59, v15;
	v4 =	vadd.s32 v62, v52  }
0xa7: {  	v1 =	vadd.s32 v29, v54;
	v13 =	vadd.f32 v10, v5;
	v10 =	vadd.s32 v57, v2  }
0xa8: {  	v5 =	vadd.f32 v56, v7;
	v7 =	vadd.s32 v61, v51;
	v2 =	vadd.s32 v63, v53  }
0xa9: {  	_ =	swait.ge [sflag:s11], $0x2000  }
0xaa: {  	[sflag:s11] =	ssyncset.done $0x0  }
0xab: {  	[sflag:s11] =	ssyncadd.s32 $0xFFFFE000  }
0xac: {  	s16 =	simm.s32 $0x0;
	_ =	swait.ge [sflag:s11], $0x2000  }
0xad: {  	s17 =	sand.u32 $0x60, s16;
	s16 =	sand.u32 $0x3F00, s16;
	[sflag:s11] =	ssyncset.done $0x0  }
0xae: {  	s16 =	sor.u32 s17, s16;
	[sflag:s11] =	ssyncadd.s32 $0xFFFFE000  }
0xaf: {  	v15 =	vld [tilespmem:s16+$0x10]  }
0xb0: {  	v16 =	vld [tilespmem:s16+$0x4010]  }
0xb1: {  	v17 =	vld [tilespmem:s16+$0x0]  }
0xb2: {  	v18 =	vld [tilespmem:s16+$0x4000];
	_ =	sdelay $0x2  }
0xb3: {  	v19 =	vsub.f32 v15, v16;
	vm0 =	veq.f32 v15, v16  }
0xb4: {  	vm4 =	veq.f32 v17, $0.0e+00;
	vm2 =	veq.f32 v16, $0.0e+00;
	vm1 =	veq.f32 v15, $0.0e+00  }
0xb5: {  	v16 =	vsub.f32 v17, v18;
	vm6 =	veq.f32 v18, $0.0e+00;
	vm3 =	veq.f32 v17, v18  }
0xb6: {  	vm5 =	vmand vm1, vm2;
	vm8 =	vmand vm4, vm6;
	v20 =	vsel vm6, $0x1, v0  }
0xb7: {  	v15 =	vmul.f32 v19, v19;
	vm7 =	vmxor vm1, vm5;
	v16 =	vmul.f32 v16, v16  }
0xb8: {  	s31 =	simm.s32 $0x20;
	s16 =	simm.s32 $0x40;
	vm15 =	vmxor vm4, vm8;
	v19 =	vsel vm8, $0x1, v0;
	v21 =	vsel vm5, $0x1, v0  }
0xb9: {  	s17 =	sand.u32 $0x60, s31;
	s18 =	sand.u32 $0x3F00, s16;
	v18 =	vnsel vm7, $0x0, v15;
	v17 =	vnsel vm2, $0x0, v15;
	v22 =	vnsel vm6, $0x0, v16  }
0xba: {  	s18 =	sor.u32 s17, s18;
	s17 =	simm.s32 $0x40;
	v23 =	vnsel vm15, $0x0, v16;
	v14 =	vadd.f32 v18, v14;
	v18 =	vsel vm4, $0x1, v0  }
.LBB2_20:
0xbb: {  	p0 =	sne.s32 s17, $0x1FE0;
	v24 =	vld [tilespmem:s18+$0x10];
	v25 =	vsel vm3, $0x1, v0;
	v26 =	vsel vm2, $0x1, v0;
	v27 =	vsel vm1, $0x1, v0  }
0xbc: {  	v13 =	vadd.f32 v22, v13;
	v12 =	vadd.f32 v23, v12;
	v22 =	vsel vm0, $0x1, v0;
	v28 =	vld [tilespmem:s18+$0x4010]  }
0xbd: {  	v11 =	vadd.f32 v16, v11;
	v10 =	vadd.s32 v19, v10;
	v5 =	vadd.f32 v17, v5;
	v23 =	vld [tilespmem:s18+$0x0]  }
0xbe: {  	v9 =	vadd.s32 v20, v9;
	v6 =	vadd.f32 v15, v6;
	v3 =	vadd.s32 v21, v3;
	v16 =	vld [tilespmem:s18+$0x4000]  }
0xbf: {  	v8 =	vadd.s32 v18, v8;
	v7 =	vadd.s32 v25, v7;
	v4 =	vadd.s32 v26, v4  }
0xc0: {  	v2 =	vadd.s32 v27, v2;
	v1 =	vadd.s32 v22, v1  }
0xc1: {  	v15 =	vsub.f32 v24, v28;
	vm0 =	veq.f32 v24, v28  }
0xc2: {  	vm1 =	veq.f32 v24, $0.0e+00;
	vm2 =	veq.f32 v28, $0.0e+00;
	vm4 =	veq.f32 v23, $0.0e+00  }
0xc3: {  	vm5 =	vmand vm1, vm2;
	v17 =	vsub.f32 v23, v16;
	v15 =	vmul.f32 v15, v15  }
.Ltmp9:
0xc4: {  	vm6 =	veq.f32 v16, $0.0e+00;
	vm3 =	veq.f32 v23, v16;
	vm7 =	vmxor vm1, vm5;
	(pc) =	sbr.rel @p0 .LBB2_20-.Ltmp9, $4  }
0xc5: {  	vm8 =	vmand vm4, vm6;
	v16 =	vmul.f32 v17, v17;
	v18 =	vnsel vm7, $0x0, v15  }
0xc6: {  	s16 =	sadd.s32 $0x40, s16;
	vm7 =	vmxor vm4, vm8;
	v17 =	vnsel vm2, $0x0, v15;
	v14 =	vadd.f32 v18, v14  }
0xc7: {  	s19 =	sand.u32 $0x3F00, s16;
	s18 =	sand.u32 $0x60, s17;
	v19 =	vsel vm8, $0x1, v0;
	v22 =	vnsel vm6, $0x0, v16;
	v23 =	vnsel vm7, $0x0, v16  }
0xc8: {  	s17 =	sadd.s32 $0x20, s17;
	s18 =	sor.u32 s18, s19;
	v21 =	vsel vm5, $0x1, v0;
	v20 =	vsel vm6, $0x1, v0;
	v18 =	vsel vm4, $0x1, v0  }
0xc9: {  	v24 =	vld [tilespmem:s18+$0x10]  }
0xca: {  	v25 =	vsel vm3, $0x1, v0;
	v26 =	vsel vm2, $0x1, v0;
	v27 =	vld [tilespmem:s18+$0x4010];
	v28 =	vsel vm1, $0x1, v0  }
0xcb: {  	v13 =	vadd.f32 v22, v13;
	v12 =	vadd.f32 v23, v12;
	v46 =	vld [tilespmem:s18+$0x0];
	v47 =	vsel vm0, $0x1, v0  }
0xcc: {  	v11 =	vadd.f32 v16, v11;
	v10 =	vadd.s32 v19, v10;
	v48 =	vld [tilespmem:s18+$0x4000];
	v5 =	vadd.f32 v17, v5  }
0xcd: {  	v9 =	vadd.s32 v20, v9;
	v6 =	vadd.f32 v15, v6;
	v3 =	vadd.s32 v21, v3  }
0xce: {  	v8 =	vadd.s32 v18, v8;
	v7 =	vadd.s32 v25, v7;
	v4 =	vadd.s32 v26, v4  }
0xcf: {  	v2 =	vadd.s32 v28, v2;
	v1 =	vadd.s32 v47, v1;
	v49 =	vsub.f32 v24, v27  }
0xd0: {  	vm0 =	veq.f32 v24, v27;
	vm12 =	veq.f32 v46, $0.0e+00;
	vm13 =	veq.f32 v27, $0.0e+00  }
0xd1: {  	vm14 =	veq.f32 v24, $0.0e+00;
	v50 =	vsub.f32 v46, v48;
	vm5 =	veq.f32 v48, $0.0e+00  }
0xd2: {  	vm8 =	veq.f32 v46, v48;
	vm4 =	vmand vm14, vm13;
	vm7 =	vmand vm12, vm5  }
0xd3: {  	v56 =	vsel vm5, $0x1, v0;
	v57 =	vsel vm12, $0x1, v0;
	v59 =	vsel vm8, $0x1, v0  }
0xd4: {  	v60 =	vsel vm13, $0x1, v0;
	v61 =	vsel vm14, $0x1, v0;
	v62 =	vsel vm0, $0x1, v0  }
0xd5: {  	v15 =	vmul.f32 v49, v49;
	vm6 =	vmxor vm14, vm4;
	v17 =	vmul.f32 v50, v50  }
0xd6: {  	vm15 =	vmxor vm12, vm7;
	v55 =	vsel vm7, $0x1, v0;
	v58 =	vsel vm4, $0x1, v0  }
0xd7: {  	v9 =	vadd.s32 v56, v9;
	v8 =	vadd.s32 v57, v8;
	v7 =	vadd.s32 v59, v7  }
0xd8: {  	v4 =	vadd.s32 v60, v4;
	v2 =	vadd.s32 v61, v2;
	v1 =	vadd.s32 v62, v1  }
0xd9: {  	v10 =	vadd.s32 v55, v10;
	v4 =	vadd.s32 v9, v4;
	v2 =	vadd.s32 v8, v2  }
0xda: {  	v3 =	vadd.s32 v58, v3;
	v1 =	vadd.s32 v7, v1;
	v51 =	vnsel vm6, $0x0, v15  }
0xdb: {  	v52 =	vnsel vm13, $0x0, v15;
	v53 =	vnsel vm5, $0x0, v17;
	v4 =	vcvt.s32.f32 v4  }
0xdc: {  	v11 =	vadd.f32 v17, v11;
	v6 =	vadd.f32 v15, v6;
	v2 =	vcvt.s32.f32 v2  }
0xdd: {  	v54 =	vnsel vm15, $0x0, v17;
	v1 =	vcvt.s32.f32 v1;
	v13 =	vadd.f32 v53, v13;
	[tilespmem:$0x8180] =	vst v4  }
0xde: {  	v3 =	vadd.s32 v10, v3;
	v5 =	vadd.f32 v52, v5;
	v6 =	vadd.f32 v6, v11;
	[tilespmem:$0x8200] =	vst v2  }
0xdf: {  	v14 =	vadd.f32 v51, v14;
	v12 =	vadd.f32 v54, v12;
	v2 =	vcvt.s32.f32 v3;
	[tilespmem:$0x8280] =	vst v1  }
0xe0: {  	v5 =	vadd.f32 v5, v13;
	[tilespmem:$0x8000] =	vst v6  }
0xe1: {  	s15 =	sadd.s32 $0x1, s15;
	v63 =	vadd.f32 v14, v12;
	[tilespmem:$0x8300] =	vst v2  }
0xe2: {  	p0 =	sne.s32 s15, s10;
	[tilespmem:$0x8080] =	vst v5  }
.Ltmp10:
0xe3: {  	[tilespmem:$0x8100] =	vst v63;
	(pc) =	sbr.rel @p0 .LBB2_1-.Ltmp10, $4  }
0xe4: {  	[hbm4b:s9+s2] =	stream.linear.scatter [tilespmem:s13], [sflag:$0x3], $0x380, $0x38;
	[tilespmem:$0x8400] =	vst v63  }
0xe5: {  	_ =	swait.ge [sflag:s14], $0x380  }
0xe6: {  	[sflag:s14] =	ssyncset.done $0x0  }
0xe7: {  	[sflag:s14] =	ssyncadd.s32 $0xFFFFFC80  }
0xe8: {  	_ =	sfence.sel $0x180000  }
0xe9: {  	[bflag:$0x0] =	sbarrier.arrive $0xFFFF  }
0xea: {  	p0 =	sne.s32 s1, $0x0;
	_ =	strace $0x90000047  }
0xeb: {  	s0 =	sadd.s32 @!p0 $0x100000, s0;
	[bflag:$0x2] =	sbarrier.arrive $0xFFFF  }
0xec: {  	[sflag:s0] =	ssyncadd.tile.s32 @!p0 $0x1;
	_ =	shalt  }
.Lfunc_end2:
_tile_overlayer_lowered:
.L_overlay_start_2:
0xed: {  	(tag) =	ssettag $0x2  }
0xee: {  	s0 =	rddreg [dreg:$0x0];
	s2 =	stileid.u32  }
0xef: {  	s1 =	rddreg [dreg:$0x1];
	p0 =	sne.s32 s2, $0x0  }
0xf0: {  	s3 =	rddreg [dreg:$0x2];
	[bflag:$0x3] =	sbarrier.arrive $0xFFFF;
	s2 =	simm.s32 @!p0 $0x1C03  }
0xf1: {  	[timem:s3], [sflag:s2] =	dma.local @!p0 [hbm:s0], s1  }
0xf2: {  	s0 =	simm.s32 @!p0 $0x3  }
0xf3: {  	_ =	swait.ge @!p0 [sflag:s0], s1  }
0xf4: {  	s1 =	ssub.s32 @!p0 $0x0, s1;
	[sflag:s0] =	ssyncset.done @!p0 $0x0  }
0xf5: {  	[sflag:s0] =	ssyncadd.s32 @!p0 s1  }
0xf6: {  	[bflag:$0x3] =	sbarrier.arrive $0xFFFF  }
0xf7: {  	_ =	shalt  }

</sc_bundles>
